<compile_context>
chip_gen: v7x
topology: tpu7x:2x2x1
jax: 0.10.2.dev20260603
libtpu: 0.0.44.dev20260713+nightly
codegen_flags: <defaults>
</compile_context>

<pallas_src>
import functools

import jax
import jax.numpy as jnp
from jax import lax
from jax.experimental import pallas as pl
from jax.experimental.pallas import tpu as pltpu
from jax.experimental.pallas import tpu_sc as plsc

NC = 2
NS = 16
NW = NC * NS
B = 80


def _round_up(a, b):
    return (a + b - 1) // b * b


@functools.partial(jax.jit, static_argnums=(3, 4))
def _sc_seg_sum(table, src3d, dst3d, with_cnt, fsplit):
    if fsplit:
        N, D = table.shape[1], table.shape[2]
    else:
        N, D = table.shape
    NBLK = src3d.shape[1]
    NP = _round_up(N + 1, NS * 128)
    RPT = NP // NS
    ZROWS = 128 if RPT % 128 == 0 else RPT
    assert RPT % ZROWS == 0
    SPT = RPT
    CL = NS * SPT

    mesh = plsc.VectorSubcoreMesh(core_axis_name="c", subcore_axis_name="s")

    out_type = [jax.ShapeDtypeStruct((NC, NP, D), jnp.float32)]
    if with_cnt:
        out_type.append(jax.ShapeDtypeStruct((NC, CL), jnp.float32))

    scratch = [
        pltpu.VMEM((NBLK, B), jnp.int32),
        pltpu.VMEM((NBLK, B), jnp.int32),
        pltpu.VMEM((B, D), jnp.float32),
        pltpu.VMEM((B, D), jnp.float32),
        pltpu.VMEM((ZROWS, D), jnp.float32),
        pltpu.VMEM((SPT,), jnp.float32),
        pltpu.SemaphoreType.DMA,
        pltpu.SemaphoreType.DMA,
        pltpu.SemaphoreType.DMA,
        pltpu.VMEM_SHARED((NP, D), jnp.float32),
        pltpu.VMEM_SHARED((CL,), jnp.float32),
    ]

    def body(table_h, src_h, dst_h, *rest):
        out_h = rest[0]
        rest = rest[1:]
        if with_cnt:
            cnt_h = rest[0]
            rest = rest[1:]
        (srcv, dstv, rows0, rows1, zbuf, zcnt,
         sem0, sem1, semc, acc, cacc) = rest
        c = lax.axis_index("c")
        s = lax.axis_index("s")
        tbl = table_h.at[c] if fsplit else table_h
        wid = s if fsplit else c * NS + s

        z16 = jnp.zeros((16,), jnp.float32)
        one16 = jnp.full((16,), 1.0, jnp.float32)
        dpc = D // 16

        def zb(i, _):
            zbuf[i // dpc, pl.ds((i % dpc) * 16, 16)] = z16
            return 0

        lax.fori_loop(0, ZROWS * dpc, zb, 0)
        for k in range(RPT // ZROWS):
            pltpu.sync_copy(zbuf, acc.at[pl.ds(s * RPT + k * ZROWS, ZROWS)])

        if with_cnt:
            def zc(i, _):
                zcnt[pl.ds(i * 16, 16)] = z16
                return 0

            lax.fori_loop(0, SPT // 16, zc, 0)
            pltpu.sync_copy(zcnt, cacc.at[pl.ds(s * SPT, SPT)])

        pltpu.sync_copy(src_h.at[wid], srcv)
        pltpu.sync_copy(dst_h.at[wid], dstv)

        if with_cnt:
            def oc(i, _):
                zcnt[pl.ds(i * 16, 16)] = one16
                return 0

            lax.fori_loop(0, B // 16, oc, 0)

        plsc.subcore_barrier()

        ones_b = zcnt.at[pl.ds(0, B)]

        def scat(j, rows):
            if with_cnt:
                mine = jnp.logical_xor(j >= NBLK // 2, c == 0)

                def _fire_cnt():
                    pltpu.async_copy(ones_b, cacc.at[dstv.at[j]], semc,
                                     add=True)

                pl.when(mine)(_fire_cnt)
            pltpu.sync_copy(rows, acc.at[dstv.at[j]], add=True)

        pltpu.async_copy(tbl.at[srcv.at[0]], rows0, sem0)

        def step(k, _):
            j0 = 2 * k
            pltpu.async_copy(tbl.at[srcv.at[j0 + 1]], rows1, sem1)
            pltpu.make_async_copy(tbl.at[srcv.at[j0]], rows0, sem0).wait()
            scat(j0, rows0)
            pltpu.async_copy(tbl.at[srcv.at[j0 + 2]], rows0, sem0)
            pltpu.make_async_copy(tbl.at[srcv.at[j0 + 1]], rows1, sem1).wait()
            scat(j0 + 1, rows1)
            return 0

        if NBLK % 2 == 1:
            lax.fori_loop(0, (NBLK - 1) // 2, step, 0)
            pltpu.make_async_copy(tbl.at[srcv.at[NBLK - 1]], rows0, sem0).wait()
            scat(NBLK - 1, rows0)
        else:
            lax.fori_loop(0, NBLK // 2 - 1, step, 0)
            jl = NBLK - 2
            pltpu.async_copy(tbl.at[srcv.at[jl + 1]], rows1, sem1)
            pltpu.make_async_copy(tbl.at[srcv.at[jl]], rows0, sem0).wait()
            scat(jl, rows0)
            pltpu.make_async_copy(tbl.at[srcv.at[jl + 1]], rows1, sem1).wait()
            scat(jl + 1, rows1)

        if with_cnt:
            assert NBLK % 2 == 0

            def drain(i, _):
                pltpu.make_async_copy(ones_b, cacc.at[dstv.at[0]], semc).wait()
                return 0

            lax.fori_loop(0, NBLK // 2, drain, 0)

        plsc.subcore_barrier()

        pltpu.sync_copy(acc.at[pl.ds(s * RPT, RPT)],
                        out_h.at[c].at[pl.ds(s * RPT, RPT)])
        if with_cnt:
            pltpu.sync_copy(cacc.at[pl.ds(s * SPT, SPT)],
                            cnt_h.at[c].at[pl.ds(s * SPT, SPT)])

    f = pl.kernel(
        body, out_type=out_type, mesh=mesh, scratch_types=scratch,
        compiler_params=pltpu.CompilerParams(use_tc_tiling_on_sc=False))
    return f(table, src3d, dst3d)


RB = 2048


def _k1a_body(x_ref, w1l_ref, y1_ref):
    y1 = jnp.dot(x_ref[...], w1l_ref[...], preferred_element_type=jnp.float32)
    h = y1.shape[1] // 2
    y1_ref[0] = y1[:, :h]
    y1_ref[1] = y1[:, h:]


def _k1b_body(x_ref, w1r_ref, xr_ref):
    xr_ref[...] = jnp.dot(x_ref[...], w1r_ref[...], preferred_element_type=jnp.float32)


def _k2a_body(a0_ref, a1_ref, cnt_ref, xr_ref, b1_ref, w2l_ref,
              wlin_ref, h_ref, y2_ref):
    agg = jnp.concatenate([a0_ref[0], a1_ref[0]], axis=1)
    cs = cnt_ref[0] + cnt_ref[1]
    inv = 1.0 / jnp.maximum(cs, 1.0)
    h = jnp.maximum(agg * inv[:, None] + b1_ref[...] + xr_ref[...], 0.0)
    h_ref[...] = h
    w2lin = jnp.dot(w2l_ref[...], wlin_ref[...], preferred_element_type=jnp.float32)
    y2_ref[...] = jnp.dot(h, w2lin, preferred_element_type=jnp.float32)


def _k2b_body(h_ref, w2r_ref, wlin_ref, hr2_ref):
    w2rin = jnp.dot(w2r_ref[...], wlin_ref[...], preferred_element_type=jnp.float32)
    hr2_ref[...] = jnp.dot(h_ref[...], w2rin, preferred_element_type=jnp.float32)


def _k3_body(a0_ref, a1_ref, cnt_ref, hr2_ref, b2_ref, wlin_ref, blin_ref,
             out_ref):
    agg = a0_ref[0] + a1_ref[0]
    cs = cnt_ref[0] + cnt_ref[1]
    inv = 1.0 / jnp.maximum(cs, 1.0)
    bias = jnp.dot(b2_ref[...], wlin_ref[...], preferred_element_type=jnp.float32)
    out_ref[...] = agg * inv[:, None] + hr2_ref[...] + bias + blin_ref[...]


def kernel(x, edge_index, W1l, b1l, W1r, W2l, b2l, W2r, Wlin, blin):
    N, D = x.shape
    H = W1l.shape[1]
    O = Wlin.shape[1]
    E = edge_index.shape[1]
    CL = _round_up(N + 1, NS * 128)
    Hh = H // 2

    spare = CL - N

    def _prep_idx(arr, parts, is_dst):
        pt = E // parts
        nb = -(-pt // B)
        a = arr.reshape(parts, pt)
        if nb * B > pt:
            npad = nb * B - pt
            if is_dst:
                fill = N + jnp.arange(npad, dtype=jnp.int32) % spare
            else:
                fill = jnp.zeros((npad,), jnp.int32)
            pad = jnp.broadcast_to(fill, (parts, npad))
            a = jnp.concatenate([a, pad], axis=1)
        return a.reshape(parts, nb, B)

    src_f = _prep_idx(edge_index[0], NS, False)
    dst_f = _prep_idx(edge_index[1], NS, True)
    src_e = _prep_idx(edge_index[0], NW, False)
    dst_e = _prep_idx(edge_index[1], NW, True)

    grid = ((N + RB - 1) // RB,)
    wspec = pl.BlockSpec((D, H), lambda i: (0, 0))

    y1s = pl.pallas_call(
        _k1a_body,
        grid=grid,
        in_specs=[pl.BlockSpec((RB, D), lambda i: (i, 0)), wspec],
        out_specs=pl.BlockSpec((NC, RB, Hh), lambda i: (0, i, 0)),
        out_shape=jax.ShapeDtypeStruct((NC, N, Hh), jnp.float32),
    )(x, W1l)

    xr = pl.pallas_call(
        _k1b_body,
        grid=grid,
        in_specs=[pl.BlockSpec((RB, D), lambda i: (i, 0)), wspec],
        out_specs=pl.BlockSpec((RB, H), lambda i: (i, 0)),
        out_shape=jax.ShapeDtypeStruct((N, H), jnp.float32),
    )(x, W1r)

    agg1, cnt = _sc_seg_sum(y1s, src_f, dst_f, True, True)

    h, y2 = pl.pallas_call(
        _k2a_body,
        grid=grid,
        in_specs=[
            pl.BlockSpec((1, RB, Hh), lambda i: (0, i, 0)),
            pl.BlockSpec((1, RB, Hh), lambda i: (1, i, 0)),
            pl.BlockSpec((NC, RB), lambda i: (0, i)),
            pl.BlockSpec((RB, H), lambda i: (i, 0)),
            pl.BlockSpec((1, H), lambda i: (0, 0)),
            pl.BlockSpec((H, H), lambda i: (0, 0)),
            pl.BlockSpec((H, O), lambda i: (0, 0)),
        ],
        out_specs=[pl.BlockSpec((RB, H), lambda i: (i, 0)),
                   pl.BlockSpec((RB, O), lambda i: (i, 0))],
        out_shape=[jax.ShapeDtypeStruct((N, H), jnp.float32),
                   jax.ShapeDtypeStruct((N, O), jnp.float32)],
    )(agg1, agg1, cnt, xr, b1l.reshape(1, H), W2l, Wlin)

    agg2 = _sc_seg_sum(y2, src_e, dst_e, False, False)[0]

    hr2 = pl.pallas_call(
        _k2b_body,
        grid=grid,
        in_specs=[
            pl.BlockSpec((RB, H), lambda i: (i, 0)),
            pl.BlockSpec((H, H), lambda i: (0, 0)),
            pl.BlockSpec((H, O), lambda i: (0, 0)),
        ],
        out_specs=pl.BlockSpec((RB, O), lambda i: (i, 0)),
        out_shape=jax.ShapeDtypeStruct((N, O), jnp.float32),
    )(h, W2r, Wlin)

    out = pl.pallas_call(
        _k3_body,
        grid=grid,
        in_specs=[
            pl.BlockSpec((1, RB, O), lambda i: (0, i, 0)),
            pl.BlockSpec((1, RB, O), lambda i: (1, i, 0)),
            pl.BlockSpec((NC, RB), lambda i: (0, i)),
            pl.BlockSpec((RB, O), lambda i: (i, 0)),
            pl.BlockSpec((1, D), lambda i: (0, 0)),
            pl.BlockSpec((H, O), lambda i: (0, 0)),
            pl.BlockSpec((1, O), lambda i: (0, 0)),
        ],
        out_specs=pl.BlockSpec((RB, O), lambda i: (i, 0)),
        out_shape=jax.ShapeDtypeStruct((N, O), jnp.float32),
    )(agg2, agg2, cnt, hr2, b2l.reshape(1, D), Wlin, blin.reshape(1, O))

    return out

# --- scband reference (transcript-rebuilt; emitter-appended) ---
"""Pipeline reference for scband-hetero-gnn-1322849928004 (READ-ONLY COPY).

The authoritative reference and input builder live on the scoring server;
editing this copy changes nothing except your own understanding.
"""

import jax, jax.numpy as jnp
import numpy as np

N = 10000
E = 320000
D = 128
H = 128
O = 64


def setup_inputs(seed: int = 0) -> dict:
    key = jax.random.key(seed)
    ks = jax.random.split(key, 12)
    x = jax.random.normal(ks[0], (N, D), dtype=jnp.float32)
    edge_index = jax.random.randint(ks[1], (2, E), 0, N, dtype=jnp.int32)
    s = 0.05
    W1l = jax.random.normal(ks[2], (D, H), dtype=jnp.float32) * s
    b1l = jnp.zeros((H,), dtype=jnp.float32)
    W1r = jax.random.normal(ks[3], (D, H), dtype=jnp.float32) * s
    W2l = jax.random.normal(ks[4], (H, H), dtype=jnp.float32) * s
    b2l = jnp.zeros((H,), dtype=jnp.float32)
    W2r = jax.random.normal(ks[5], (H, H), dtype=jnp.float32) * s
    Wlin = jax.random.normal(ks[6], (H, O), dtype=jnp.float32) * s
    blin = jnp.zeros((O,), dtype=jnp.float32)
    return {"x": x, "edge_index": edge_index, "W1l": W1l, "b1l": b1l, "W1r": W1r,
            "W2l": W2l, "b2l": b2l, "W2r": W2r, "Wlin": Wlin, "blin": blin}


def _sage_conv(x_src, x_dst, edge_index, Wl, bl, Wr):
    # PyG SAGEConv: mean-aggregate neighbor features, lin_l(agg) + lin_r(x_dst); lin_r has no bias.
    src = edge_index[0]
    dst = edge_index[1]
    msg = jnp.take(x_src, src, axis=0)
    summed = jax.ops.segment_sum(msg, dst, num_segments=x_dst.shape[0])
    cnt = jax.ops.segment_sum(jnp.ones((src.shape[0],), dtype=x_src.dtype), dst, num_segments=x_dst.shape[0])
    mean = summed / jnp.maximum(cnt, 1.0)[:, None]
    return mean @ Wl + bl + x_dst @ Wr


def reference(x, edge_index, W1l, b1l, W1r, W2l, b2l, W2r, Wlin, blin):
    # Layer 1 (HeteroConv over a single edge type ('domain','to','domain'))
    h = _sage_conv(x, x, edge_index, W1l, b1l, W1r)
    h = jax.nn.relu(h)
    # F.dropout with training=False is identity (eval mode)
    # Layer 2 (final conv, no activation)
    h = _sage_conv(h, h, edge_index, W2l, b2l, W2r)
    # Final linear on the 'domain' node type
    return h @ Wlin + blin

if __name__ == "__main__":
    import jax
    _d = setup_inputs()
    print(jax.jit(kernel)(*tuple(_d.values())))

</pallas_src>

<mosaic_0001>
#map = affine_map<(d0, d1) -> (0, 0, 0)>
#map1 = affine_map<(d0, d1) -> (0, 0)>
module attributes {stable_mosaic.version = 14 : i64} {
  func.func @body(%arg0: i32, %arg1: i32, %arg2: memref<2x10000x64xf32, #tpu.memory_space<hbm>>, %arg3: memref<16x250x80xi32, #tpu.memory_space<hbm>>, %arg4: memref<16x250x80xi32, #tpu.memory_space<hbm>>, %arg5: memref<2x10240x64xf32, #tpu.memory_space<hbm>>, %arg6: memref<2x10240xf32, #tpu.memory_space<hbm>>, %arg7: memref<250x80xi32, #tpu.memory_space<vmem>>, %arg8: memref<250x80xi32, #tpu.memory_space<vmem>>, %arg9: memref<80x64xf32, #tpu.memory_space<vmem>>, %arg10: memref<80x64xf32, #tpu.memory_space<vmem>>, %arg11: memref<128x64xf32, #tpu.memory_space<vmem>>, %arg12: memref<640xf32, #tpu.memory_space<vmem>>, %arg13: memref<!tpu.dma_semaphore, #tpu.memory_space<semaphore_mem>>, %arg14: memref<!tpu.dma_semaphore, #tpu.memory_space<semaphore_mem>>, %arg15: memref<!tpu.dma_semaphore, #tpu.memory_space<semaphore_mem>>, %arg16: memref<10240x64xf32, #tpu.memory_space<vmem_shared>>, %arg17: memref<10240xf32, #tpu.memory_space<vmem_shared>>) attributes {dimension_semantics = [#tpu.dimension_semantics<core_parallel>, #tpu.dimension_semantics<subcore_parallel>], iteration_bounds = array<i64: 2, 16>, scalar_prefetch = 0 : i64, scratch_operands = 11 : i64, tpu.core_type = #tpu.core_type<sc_vector_subcore>, window_params = [{transform_indices = #map}, {transform_indices = #map}, {transform_indices = #map}, {transform_indices = #map}, {transform_indices = #map1}]} {
    %broadcast_in_dim3A = arith.constant 0.000000e+00 : f32
    %broadcast_in_dim3A_0 = vector.broadcast %broadcast_in_dim3A : f32 to vector<16xf32>
    %broadcast_in_dim3A_1 = arith.constant 1.000000e+00 : f32
    %broadcast_in_dim3A_2 = vector.broadcast %broadcast_in_dim3A_1 : f32 to vector<16xf32>
    %scan3A = arith.constant 0 : i32
    %scan3A_3 = arith.constant 0 : i32
    %scan3A_4 = arith.constant 512 : i32
    %scan3A_5 = arith.addi %scan3A_3, %scan3A_4 : i32
    %scan3A_6 = arith.constant 1 : i32
    %scan3A_7 = scf.for %scan3A_119 = %scan3A_3 to %scan3A_5 step %scan3A_6 iter_args(%scan3A_120 = %scan3A) -> (i32)  : i32 {
      %jit3A = arith.constant 4 : i32
      %div3A = arith.divsi %scan3A_119, %jit3A : i32
      %sign3A = arith.constant 0 : i32
      %sign3A_121 = arith.cmpi sgt, %scan3A_119, %sign3A : i32
      %sign3A_122 = arith.extui %sign3A_121 : i1 to i32
      %sign3A_123 = arith.constant 0 : i32
      %sign3A_124 = arith.cmpi slt, %scan3A_119, %sign3A_123 : i32
      %sign3A_125 = arith.extui %sign3A_124 : i1 to i32
      %sign3A_126 = arith.subi %sign3A_122, %sign3A_125 : i32
      %sign3A_127 = arith.constant 0 : i32
      %sign3A_128 = arith.cmpi sgt, %jit3A, %sign3A_127 : i32
      %sign3A_129 = arith.extui %sign3A_128 : i1 to i32
      %sign3A_130 = arith.constant 0 : i32
      %sign3A_131 = arith.cmpi slt, %jit3A, %sign3A_130 : i32
      %sign3A_132 = arith.extui %sign3A_131 : i1 to i32
      %sign3A_133 = arith.subi %sign3A_129, %sign3A_132 : i32
      %ne3A = arith.cmpi ne, %sign3A_126, %sign3A_133 : i32
      %rem3A = arith.remsi %scan3A_119, %jit3A : i32
      %ne3A_134 = arith.constant 0 : i32
      %ne3A_135 = arith.cmpi ne, %rem3A, %ne3A_134 : i32
      %and3A = arith.andi %ne3A, %ne3A_135 : i1
      %sub3A = arith.constant 1 : i32
      %sub3A_136 = arith.subi %div3A, %sub3A : i32
      %select_n3A = arith.select %and3A, %sub3A_136, %div3A : i32
      %jit3A_137 = arith.constant 4 : i32
      %eq3A_138 = arith.constant 0 : i32
      %eq3A_139 = arith.cmpi eq, %jit3A_137, %eq3A_138 : i32
      %jit3A_140 = arith.constant 1 : i32
      %select_n3A_141 = arith.select %eq3A_139, %jit3A_140, %jit3A_137 : i32
      %rem3A_142 = arith.remsi %scan3A_119, %select_n3A_141 : i32
      %ne3A_143 = arith.constant 0 : i32
      %ne3A_144 = arith.cmpi ne, %rem3A_142, %ne3A_143 : i32
      %lt3A = arith.constant 0 : i32
      %lt3A_145 = arith.cmpi slt, %rem3A_142, %lt3A : i32
      %lt3A_146 = arith.constant 0 : i32
      %lt3A_147 = arith.cmpi slt, %select_n3A_141, %lt3A_146 : i32
      %ne3A_148 = arith.xori %lt3A_145, %lt3A_147 : i1
      %and3A_149 = arith.andi %ne3A_148, %ne3A_144 : i1
      %add3A_150 = arith.addi %rem3A_142, %select_n3A_141 : i32
      %select_n3A_151 = arith.select %and3A_149, %add3A_150, %rem3A_142 : i32
      %mul3A_152 = arith.constant 16 : i32
      %mul3A_153 = arith.muli %select_n3A_151, %mul3A_152 : i32
      %swap3A = arith.index_cast %select_n3A : i32 to index
      %swap3A_154 = arith.index_cast %mul3A_153 : i32 to index
      %swap3A_155 = tpu.vector_load %arg11[%swap3A, %swap3A_154] {strides = array<i32>} : memref<128x64xf32, #tpu.memory_space<vmem>>, vector<1x16xf32>,
      %swap3A_156 = vector.shape_cast %swap3A_155 : vector<1x16xf32> to vector<16xf32>
      %swap3A_157 = vector.shape_cast %broadcast_in_dim3A_0 : vector<16xf32> to vector<1x16xf32>
      tpu.vector_store %arg11[%swap3A, %swap3A_154], %swap3A_157 {strides = array<i32>} : memref<128x64xf32, #tpu.memory_space<vmem>>, vector<1x16xf32>,
      %scan3A_158 = arith.constant 0 : i32
      scf.yield %scan3A_158 : i32
    }
    %scan3A_8 = arith.constant 512 : i32
    %mul3A = arith.constant 640 : i32
    %mul3A_9 = arith.muli %arg1, %mul3A : i32
    %add3A = arith.constant 0 : i32
    %add3A_10 = arith.addi %mul3A_9, %add3A : i32
    "tpu.region"() ({
      %run_scoped3A_119 = tpu.sem_alloc : memref<!tpu.dma_semaphore, #tpu.memory_space<semaphore_mem>>
      %dma_start3A_120 = arith.constant 0 : i32
      %dma_start3A_121 = tpu.memref_slice %arg16[%add3A_10, %dma_start3A_120] : memref<10240x64xf32, #tpu.memory_space<vmem_shared>> -> memref<128x64xf32, #tpu.memory_space<vmem_shared>>
      %dma_start3A_122 = arith.constant 0 : i32
      %dma_start3A_123 = tpu.memref_slice %arg16[%add3A_10, %dma_start3A_122] : memref<10240x64xf32, #tpu.memory_space<vmem_shared>> -> memref<128x64xf32, #tpu.memory_space<vmem_shared>>
      tpu.enqueue_dma source(%arg11 : memref<128x64xf32, #tpu.memory_space<vmem>>) target(%dma_start3A_123 : memref<128x64xf32, #tpu.memory_space<vmem_shared>>) target_semaphore(%run_scoped3A_119 : memref<!tpu.dma_semaphore, #tpu.memory_space<semaphore_mem>>)
      %dma_wait3A_124 = arith.constant 0 : i32
      %dma_wait3A_125 = tpu.memref_slice %arg16[%add3A_10, %dma_wait3A_124] : memref<10240x64xf32, #tpu.memory_space<vmem_shared>> -> memref<128x64xf32, #tpu.memory_space<vmem_shared>>
      %dma_wait3A_126 = arith.constant 0 : i32
      %dma_wait3A_127 = tpu.memref_slice %arg16[%add3A_10, %dma_wait3A_126] : memref<10240x64xf32, #tpu.memory_space<vmem_shared>> -> memref<128x64xf32, #tpu.memory_space<vmem_shared>>
      tpu.wait_dma2 semaphore(%run_scoped3A_119 : memref<!tpu.dma_semaphore, #tpu.memory_space<semaphore_mem>>) src(%arg11 : memref<128x64xf32, #tpu.memory_space<vmem>>) dst(%dma_wait3A_127 : memref<128x64xf32, #tpu.memory_space<vmem_shared>>)
      tpu.yield
    }) : () -> ()
    %mul3A_11 = arith.constant 640 : i32
    %mul3A_12 = arith.muli %arg1, %mul3A_11 : i32
    %add3A_13 = arith.constant 128 : i32
    %add3A_14 = arith.addi %mul3A_12, %add3A_13 : i32
    "tpu.region"() ({
      %run_scoped3A_119 = tpu.sem_alloc : memref<!tpu.dma_semaphore, #tpu.memory_space<semaphore_mem>>
      %dma_start3A_120 = arith.constant 0 : i32
      %dma_start3A_121 = tpu.memref_slice %arg16[%add3A_14, %dma_start3A_120] : memref<10240x64xf32, #tpu.memory_space<vmem_shared>> -> memref<128x64xf32, #tpu.memory_space<vmem_shared>>
      %dma_start3A_122 = arith.constant 0 : i32
      %dma_start3A_123 = tpu.memref_slice %arg16[%add3A_14, %dma_start3A_122] : memref<10240x64xf32, #tpu.memory_space<vmem_shared>> -> memref<128x64xf32, #tpu.memory_space<vmem_shared>>
      tpu.enqueue_dma source(%arg11 : memref<128x64xf32, #tpu.memory_space<vmem>>) target(%dma_start3A_123 : memref<128x64xf32, #tpu.memory_space<vmem_shared>>) target_semaphore(%run_scoped3A_119 : memref<!tpu.dma_semaphore, #tpu.memory_space<semaphore_mem>>)
      %dma_wait3A_124 = arith.constant 0 : i32
      %dma_wait3A_125 = tpu.memref_slice %arg16[%add3A_14, %dma_wait3A_124] : memref<10240x64xf32, #tpu.memory_space<vmem_shared>> -> memref<128x64xf32, #tpu.memory_space<vmem_shared>>
      %dma_wait3A_126 = arith.constant 0 : i32
      %dma_wait3A_127 = tpu.memref_slice %arg16[%add3A_14, %dma_wait3A_126] : memref<10240x64xf32, #tpu.memory_space<vmem_shared>> -> memref<128x64xf32, #tpu.memory_space<vmem_shared>>
      tpu.wait_dma2 semaphore(%run_scoped3A_119 : memref<!tpu.dma_semaphore, #tpu.memory_space<semaphore_mem>>) src(%arg11 : memref<128x64xf32, #tpu.memory_space<vmem>>) dst(%dma_wait3A_127 : memref<128x64xf32, #tpu.memory_space<vmem_shared>>)
      tpu.yield
    }) : () -> ()
    %mul3A_15 = arith.constant 640 : i32
    %mul3A_16 = arith.muli %arg1, %mul3A_15 : i32
    %add3A_17 = arith.constant 256 : i32
    %add3A_18 = arith.addi %mul3A_16, %add3A_17 : i32
    "tpu.region"() ({
      %run_scoped3A_119 = tpu.sem_alloc : memref<!tpu.dma_semaphore, #tpu.memory_space<semaphore_mem>>
      %dma_start3A_120 = arith.constant 0 : i32
      %dma_start3A_121 = tpu.memref_slice %arg16[%add3A_18, %dma_start3A_120] : memref<10240x64xf32, #tpu.memory_space<vmem_shared>> -> memref<128x64xf32, #tpu.memory_space<vmem_shared>>
      %dma_start3A_122 = arith.constant 0 : i32
      %dma_start3A_123 = tpu.memref_slice %arg16[%add3A_18, %dma_start3A_122] : memref<10240x64xf32, #tpu.memory_space<vmem_shared>> -> memref<128x64xf32, #tpu.memory_space<vmem_shared>>
      tpu.enqueue_dma source(%arg11 : memref<128x64xf32, #tpu.memory_space<vmem>>) target(%dma_start3A_123 : memref<128x64xf32, #tpu.memory_space<vmem_shared>>) target_semaphore(%run_scoped3A_119 : memref<!tpu.dma_semaphore, #tpu.memory_space<semaphore_mem>>)
      %dma_wait3A_124 = arith.constant 0 : i32
      %dma_wait3A_125 = tpu.memref_slice %arg16[%add3A_18, %dma_wait3A_124] : memref<10240x64xf32, #tpu.memory_space<vmem_shared>> -> memref<128x64xf32, #tpu.memory_space<vmem_shared>>
      %dma_wait3A_126 = arith.constant 0 : i32
      %dma_wait3A_127 = tpu.memref_slice %arg16[%add3A_18, %dma_wait3A_126] : memref<10240x64xf32, #tpu.memory_space<vmem_shared>> -> memref<128x64xf32, #tpu.memory_space<vmem_shared>>
      tpu.wait_dma2 semaphore(%run_scoped3A_119 : memref<!tpu.dma_semaphore, #tpu.memory_space<semaphore_mem>>) src(%arg11 : memref<128x64xf32, #tpu.memory_space<vmem>>) dst(%dma_wait3A_127 : memref<128x64xf32, #tpu.memory_space<vmem_shared>>)
      tpu.yield
    }) : () -> ()
    %mul3A_19 = arith.constant 640 : i32
    %mul3A_20 = arith.muli %arg1, %mul3A_19 : i32
    %add3A_21 = arith.constant 384 : i32
    %add3A_22 = arith.addi %mul3A_20, %add3A_21 : i32
    "tpu.region"() ({
      %run_scoped3A_119 = tpu.sem_alloc : memref<!tpu.dma_semaphore, #tpu.memory_space<semaphore_mem>>
      %dma_start3A_120 = arith.constant 0 : i32
      %dma_start3A_121 = tpu.memref_slice %arg16[%add3A_22, %dma_start3A_120] : memref<10240x64xf32, #tpu.memory_space<vmem_shared>> -> memref<128x64xf32, #tpu.memory_space<vmem_shared>>
      %dma_start3A_122 = arith.constant 0 : i32
      %dma_start3A_123 = tpu.memref_slice %arg16[%add3A_22, %dma_start3A_122] : memref<10240x64xf32, #tpu.memory_space<vmem_shared>> -> memref<128x64xf32, #tpu.memory_space<vmem_shared>>
      tpu.enqueue_dma source(%arg11 : memref<128x64xf32, #tpu.memory_space<vmem>>) target(%dma_start3A_123 : memref<128x64xf32, #tpu.memory_space<vmem_shared>>) target_semaphore(%run_scoped3A_119 : memref<!tpu.dma_semaphore, #tpu.memory_space<semaphore_mem>>)
      %dma_wait3A_124 = arith.constant 0 : i32
      %dma_wait3A_125 = tpu.memref_slice %arg16[%add3A_22, %dma_wait3A_124] : memref<10240x64xf32, #tpu.memory_space<vmem_shared>> -> memref<128x64xf32, #tpu.memory_space<vmem_shared>>
      %dma_wait3A_126 = arith.constant 0 : i32
      %dma_wait3A_127 = tpu.memref_slice %arg16[%add3A_22, %dma_wait3A_126] : memref<10240x64xf32, #tpu.memory_space<vmem_shared>> -> memref<128x64xf32, #tpu.memory_space<vmem_shared>>
      tpu.wait_dma2 semaphore(%run_scoped3A_119 : memref<!tpu.dma_semaphore, #tpu.memory_space<semaphore_mem>>) src(%arg11 : memref<128x64xf32, #tpu.memory_space<vmem>>) dst(%dma_wait3A_127 : memref<128x64xf32, #tpu.memory_space<vmem_shared>>)
      tpu.yield
    }) : () -> ()
    %mul3A_23 = arith.constant 640 : i32
    %mul3A_24 = arith.muli %arg1, %mul3A_23 : i32
    %add3A_25 = arith.constant 512 : i32
    %add3A_26 = arith.addi %mul3A_24, %add3A_25 : i32
    "tpu.region"() ({
      %run_scoped3A_119 = tpu.sem_alloc : memref<!tpu.dma_semaphore, #tpu.memory_space<semaphore_mem>>
      %dma_start3A_120 = arith.constant 0 : i32
      %dma_start3A_121 = tpu.memref_slice %arg16[%add3A_26, %dma_start3A_120] : memref<10240x64xf32, #tpu.memory_space<vmem_shared>> -> memref<128x64xf32, #tpu.memory_space<vmem_shared>>
      %dma_start3A_122 = arith.constant 0 : i32
      %dma_start3A_123 = tpu.memref_slice %arg16[%add3A_26, %dma_start3A_122] : memref<10240x64xf32, #tpu.memory_space<vmem_shared>> -> memref<128x64xf32, #tpu.memory_space<vmem_shared>>
      tpu.enqueue_dma source(%arg11 : memref<128x64xf32, #tpu.memory_space<vmem>>) target(%dma_start3A_123 : memref<128x64xf32, #tpu.memory_space<vmem_shared>>) target_semaphore(%run_scoped3A_119 : memref<!tpu.dma_semaphore, #tpu.memory_space<semaphore_mem>>)
      %dma_wait3A_124 = arith.constant 0 : i32
      %dma_wait3A_125 = tpu.memref_slice %arg16[%add3A_26, %dma_wait3A_124] : memref<10240x64xf32, #tpu.memory_space<vmem_shared>> -> memref<128x64xf32, #tpu.memory_space<vmem_shared>>
      %dma_wait3A_126 = arith.constant 0 : i32
      %dma_wait3A_127 = tpu.memref_slice %arg16[%add3A_26, %dma_wait3A_126] : memref<10240x64xf32, #tpu.memory_space<vmem_shared>> -> memref<128x64xf32, #tpu.memory_space<vmem_shared>>
      tpu.wait_dma2 semaphore(%run_scoped3A_119 : memref<!tpu.dma_semaphore, #tpu.memory_space<semaphore_mem>>) src(%arg11 : memref<128x64xf32, #tpu.memory_space<vmem>>) dst(%dma_wait3A_127 : memref<128x64xf32, #tpu.memory_space<vmem_shared>>)
      tpu.yield
    }) : () -> ()
    %scan3A_27 = arith.constant 0 : i32
    %scan3A_28 = arith.constant 0 : i32
    %scan3A_29 = arith.constant 40 : i32
    %scan3A_30 = arith.addi %scan3A_28, %scan3A_29 : i32
    %scan3A_31 = arith.constant 1 : i32
    %scan3A_32 = scf.for %scan3A_119 = %scan3A_28 to %scan3A_30 step %scan3A_31 iter_args(%scan3A_120 = %scan3A_27) -> (i32)  : i32 {
      %mul3A_121 = arith.constant 16 : i32
      %mul3A_122 = arith.muli %scan3A_119, %mul3A_121 : i32
      %swap3A = arith.index_cast %mul3A_122 : i32 to index
      %swap3A_123 = tpu.vector_load %arg12[%swap3A] {strides = array<i32>} : memref<640xf32, #tpu.memory_space<vmem>>, vector<16xf32>,
      %swap3A_124 = vector.shape_cast %swap3A_123 : vector<16xf32> to vector<16xf32>
      %swap3A_125 = vector.shape_cast %broadcast_in_dim3A_0 : vector<16xf32> to vector<16xf32>
      tpu.vector_store %arg12[%swap3A], %swap3A_125 {strides = array<i32>} : memref<640xf32, #tpu.memory_space<vmem>>, vector<16xf32>,
      %scan3A_126 = arith.constant 0 : i32
      scf.yield %scan3A_126 : i32
    }
    %scan3A_33 = arith.constant 40 : i32
    %mul3A_34 = arith.constant 640 : i32
    %mul3A_35 = arith.muli %arg1, %mul3A_34 : i32
    "tpu.region"() ({
      %run_scoped3A_119 = tpu.sem_alloc : memref<!tpu.dma_semaphore, #tpu.memory_space<semaphore_mem>>
      %dma_start3A_120 = tpu.memref_slice %arg17[%mul3A_35] : memref<10240xf32, #tpu.memory_space<vmem_shared>> -> memref<640xf32, #tpu.memory_space<vmem_shared>>
      %dma_start3A_121 = tpu.memref_slice %arg17[%mul3A_35] : memref<10240xf32, #tpu.memory_space<vmem_shared>> -> memref<640xf32, #tpu.memory_space<vmem_shared>>
      tpu.enqueue_dma source(%arg12 : memref<640xf32, #tpu.memory_space<vmem>>) target(%dma_start3A_121 : memref<640xf32, #tpu.memory_space<vmem_shared>>) target_semaphore(%run_scoped3A_119 : memref<!tpu.dma_semaphore, #tpu.memory_space<semaphore_mem>>)
      %dma_wait3A_122 = tpu.memref_slice %arg17[%mul3A_35] : memref<10240xf32, #tpu.memory_space<vmem_shared>> -> memref<640xf32, #tpu.memory_space<vmem_shared>>
      %dma_wait3A_123 = tpu.memref_slice %arg17[%mul3A_35] : memref<10240xf32, #tpu.memory_space<vmem_shared>> -> memref<640xf32, #tpu.memory_space<vmem_shared>>
      tpu.wait_dma2 semaphore(%run_scoped3A_119 : memref<!tpu.dma_semaphore, #tpu.memory_space<semaphore_mem>>) src(%arg12 : memref<640xf32, #tpu.memory_space<vmem>>) dst(%dma_wait3A_123 : memref<640xf32, #tpu.memory_space<vmem_shared>>)
      tpu.yield
    }) : () -> ()
    "tpu.region"() ({
      %run_scoped3A_119 = tpu.sem_alloc : memref<!tpu.dma_semaphore, #tpu.memory_space<semaphore_mem>>
      %dma_start3A_120 = arith.constant 0 : i32
      %dma_start3A_121 = arith.constant 0 : i32
      %dma_start3A_122 = tpu.memref_slice %arg3[%arg1, %dma_start3A_120, %dma_start3A_121] : memref<16x250x80xi32, #tpu.memory_space<hbm>> -> memref<1x250x80xi32, #tpu.memory_space<hbm>>
      %dma_start3A_123 = tpu.memref_squeeze %dma_start3A_122 : memref<1x250x80xi32, #tpu.memory_space<hbm>> -> memref<250x80xi32, #tpu.memory_space<hbm>>
      %dma_start3A_124 = arith.constant 0 : i32
      %dma_start3A_125 = arith.constant 0 : i32
      %dma_start3A_126 = tpu.memref_slice %arg3[%arg1, %dma_start3A_124, %dma_start3A_125] : memref<16x250x80xi32, #tpu.memory_space<hbm>> -> memref<1x250x80xi32, #tpu.memory_space<hbm>>
      %dma_start3A_127 = tpu.memref_squeeze %dma_start3A_126 : memref<1x250x80xi32, #tpu.memory_space<hbm>> -> memref<250x80xi32, #tpu.memory_space<hbm>>
      tpu.enqueue_dma source(%dma_start3A_127 : memref<250x80xi32, #tpu.memory_space<hbm>>) target(%arg7 : memref<250x80xi32, #tpu.memory_space<vmem>>) target_semaphore(%run_scoped3A_119 : memref<!tpu.dma_semaphore, #tpu.memory_space<semaphore_mem>>)
      %dma_wait3A_128 = arith.constant 0 : i32
      %dma_wait3A_129 = arith.constant 0 : i32
      %dma_wait3A_130 = tpu.memref_slice %arg3[%arg1, %dma_wait3A_128, %dma_wait3A_129] : memref<16x250x80xi32, #tpu.memory_space<hbm>> -> memref<1x250x80xi32, #tpu.memory_space<hbm>>
      %dma_wait3A_131 = tpu.memref_squeeze %dma_wait3A_130 : memref<1x250x80xi32, #tpu.memory_space<hbm>> -> memref<250x80xi32, #tpu.memory_space<hbm>>
      %dma_wait3A_132 = arith.constant 0 : i32
      %dma_wait3A_133 = arith.constant 0 : i32
      %dma_wait3A_134 = tpu.memref_slice %arg3[%arg1, %dma_wait3A_132, %dma_wait3A_133] : memref<16x250x80xi32, #tpu.memory_space<hbm>> -> memref<1x250x80xi32, #tpu.memory_space<hbm>>
      %dma_wait3A_135 = tpu.memref_squeeze %dma_wait3A_134 : memref<1x250x80xi32, #tpu.memory_space<hbm>> -> memref<250x80xi32, #tpu.memory_space<hbm>>
      tpu.wait_dma2 semaphore(%run_scoped3A_119 : memref<!tpu.dma_semaphore, #tpu.memory_space<semaphore_mem>>) src(%dma_wait3A_135 : memref<250x80xi32, #tpu.memory_space<hbm>>) dst(%arg7 : memref<250x80xi32, #tpu.memory_space<vmem>>)
      tpu.yield
    }) : () -> ()
    "tpu.region"() ({
      %run_scoped3A_119 = tpu.sem_alloc : memref<!tpu.dma_semaphore, #tpu.memory_space<semaphore_mem>>
      %dma_start3A_120 = arith.constant 0 : i32
      %dma_start3A_121 = arith.constant 0 : i32
      %dma_start3A_122 = tpu.memref_slice %arg4[%arg1, %dma_start3A_120, %dma_start3A_121] : memref<16x250x80xi32, #tpu.memory_space<hbm>> -> memref<1x250x80xi32, #tpu.memory_space<hbm>>
      %dma_start3A_123 = tpu.memref_squeeze %dma_start3A_122 : memref<1x250x80xi32, #tpu.memory_space<hbm>> -> memref<250x80xi32, #tpu.memory_space<hbm>>
      %dma_start3A_124 = arith.constant 0 : i32
      %dma_start3A_125 = arith.constant 0 : i32
      %dma_start3A_126 = tpu.memref_slice %arg4[%arg1, %dma_start3A_124, %dma_start3A_125] : memref<16x250x80xi32, #tpu.memory_space<hbm>> -> memref<1x250x80xi32, #tpu.memory_space<hbm>>
      %dma_start3A_127 = tpu.memref_squeeze %dma_start3A_126 : memref<1x250x80xi32, #tpu.memory_space<hbm>> -> memref<250x80xi32, #tpu.memory_space<hbm>>
      tpu.enqueue_dma source(%dma_start3A_127 : memref<250x80xi32, #tpu.memory_space<hbm>>) target(%arg8 : memref<250x80xi32, #tpu.memory_space<vmem>>) target_semaphore(%run_scoped3A_119 : memref<!tpu.dma_semaphore, #tpu.memory_space<semaphore_mem>>)
      %dma_wait3A_128 = arith.constant 0 : i32
      %dma_wait3A_129 = arith.constant 0 : i32
      %dma_wait3A_130 = tpu.memref_slice %arg4[%arg1, %dma_wait3A_128, %dma_wait3A_129] : memref<16x250x80xi32, #tpu.memory_space<hbm>> -> memref<1x250x80xi32, #tpu.memory_space<hbm>>
      %dma_wait3A_131 = tpu.memref_squeeze %dma_wait3A_130 : memref<1x250x80xi32, #tpu.memory_space<hbm>> -> memref<250x80xi32, #tpu.memory_space<hbm>>
      %dma_wait3A_132 = arith.constant 0 : i32
      %dma_wait3A_133 = arith.constant 0 : i32
      %dma_wait3A_134 = tpu.memref_slice %arg4[%arg1, %dma_wait3A_132, %dma_wait3A_133] : memref<16x250x80xi32, #tpu.memory_space<hbm>> -> memref<1x250x80xi32, #tpu.memory_space<hbm>>
      %dma_wait3A_135 = tpu.memref_squeeze %dma_wait3A_134 : memref<1x250x80xi32, #tpu.memory_space<hbm>> -> memref<250x80xi32, #tpu.memory_space<hbm>>
      tpu.wait_dma2 semaphore(%run_scoped3A_119 : memref<!tpu.dma_semaphore, #tpu.memory_space<semaphore_mem>>) src(%dma_wait3A_135 : memref<250x80xi32, #tpu.memory_space<hbm>>) dst(%arg8 : memref<250x80xi32, #tpu.memory_space<vmem>>)
      tpu.yield
    }) : () -> ()
    %scan3A_36 = arith.constant 0 : i32
    %scan3A_37 = arith.constant 0 : i32
    %scan3A_38 = arith.constant 5 : i32
    %scan3A_39 = arith.addi %scan3A_37, %scan3A_38 : i32
    %scan3A_40 = arith.constant 1 : i32
    %scan3A_41 = scf.for %scan3A_119 = %scan3A_37 to %scan3A_39 step %scan3A_40 iter_args(%scan3A_120 = %scan3A_36) -> (i32)  : i32 {
      %mul3A_121 = arith.constant 16 : i32
      %mul3A_122 = arith.muli %scan3A_119, %mul3A_121 : i32
      %swap3A = arith.index_cast %mul3A_122 : i32 to index
      %swap3A_123 = tpu.vector_load %arg12[%swap3A] {strides = array<i32>} : memref<640xf32, #tpu.memory_space<vmem>>, vector<16xf32>,
      %swap3A_124 = vector.shape_cast %swap3A_123 : vector<16xf32> to vector<16xf32>
      %swap3A_125 = vector.shape_cast %broadcast_in_dim3A_2 : vector<16xf32> to vector<16xf32>
      tpu.vector_store %arg12[%swap3A], %swap3A_125 {strides = array<i32>} : memref<640xf32, #tpu.memory_space<vmem>>, vector<16xf32>,
      %scan3A_126 = arith.constant 0 : i32
      scf.yield %scan3A_126 : i32
    }
    %scan3A_42 = arith.constant 5 : i32
    %barrier3A = arith.constant 0 : index
    tpu.barrier barrier_id(%barrier3A)
    %dma_start3A = arith.constant 0 : i32
    %dma_start3A_43 = arith.constant 0 : i32
    %dma_start3A_44 = tpu.memref_slice %arg7[%dma_start3A, %dma_start3A_43] : memref<250x80xi32, #tpu.memory_space<vmem>> -> memref<1x80xi32, #tpu.memory_space<vmem>>
    %dma_start3A_45 = tpu.memref_squeeze %dma_start3A_44 : memref<1x80xi32, #tpu.memory_space<vmem>> -> memref<80xi32, #tpu.memory_space<vmem>>
    %dma_start3A_46 = arith.constant 0 : i32
    %dma_start3A_47 = arith.constant 0 : i32
    %dma_start3A_48 = tpu.memref_slice %arg2[%arg0, %dma_start3A_46, %dma_start3A_47] : memref<2x10000x64xf32, #tpu.memory_space<hbm>> -> memref<1x10000x64xf32, #tpu.memory_space<hbm>>
    %dma_start3A_49 = tpu.memref_squeeze %dma_start3A_48 : memref<1x10000x64xf32, #tpu.memory_space<hbm>> -> memref<10000x64xf32, #tpu.memory_space<hbm>>
    %dma_start3A_50 = arith.constant 0 : i32
    %dma_start3A_51 = arith.constant 0 : i32
    %dma_start3A_52 = tpu.memref_slice %dma_start3A_49[%dma_start3A_50, %dma_start3A_51] : memref<10000x64xf32, #tpu.memory_space<hbm>> -> memref<10000x64xf32, #tpu.memory_space<hbm>>
    tpu.enqueue_indirect_dma source(%dma_start3A_52 : memref<10000x64xf32, #tpu.memory_space<hbm>>) target(%arg9 : memref<80x64xf32, #tpu.memory_space<vmem>>) offsets(%dma_start3A_45 : memref<80xi32, #tpu.memory_space<vmem>>) semaphore(%arg13 : memref<!tpu.dma_semaphore, #tpu.memory_space<semaphore_mem>>)
    %scan3A_53 = arith.constant 0 : i32
    %scan3A_54 = arith.constant 0 : i32
    %scan3A_55 = arith.constant 124 : i32
    %scan3A_56 = arith.addi %scan3A_54, %scan3A_55 : i32
    %scan3A_57 = arith.constant 1 : i32
    %scan3A_58 = scf.for %scan3A_119 = %scan3A_54 to %scan3A_56 step %scan3A_57 iter_args(%scan3A_120 = %scan3A_53) -> (i32)  : i32 {
      %mul3A_121 = arith.constant 2 : i32
      %mul3A_122 = arith.muli %mul3A_121, %scan3A_119 : i32
      %add3A_123 = arith.constant 1 : i32
      %add3A_124 = arith.addi %mul3A_122, %add3A_123 : i32
      %dma_start3A_125 = arith.constant 0 : i32
      %dma_start3A_126 = tpu.memref_slice %arg7[%add3A_124, %dma_start3A_125] : memref<250x80xi32, #tpu.memory_space<vmem>> -> memref<1x80xi32, #tpu.memory_space<vmem>>
      %dma_start3A_127 = tpu.memref_squeeze %dma_start3A_126 : memref<1x80xi32, #tpu.memory_space<vmem>> -> memref<80xi32, #tpu.memory_space<vmem>>
      %dma_start3A_128 = arith.constant 0 : i32
      %dma_start3A_129 = arith.constant 0 : i32
      %dma_start3A_130 = tpu.memref_slice %arg2[%arg0, %dma_start3A_128, %dma_start3A_129] : memref<2x10000x64xf32, #tpu.memory_space<hbm>> -> memref<1x10000x64xf32, #tpu.memory_space<hbm>>
      %dma_start3A_131 = tpu.memref_squeeze %dma_start3A_130 : memref<1x10000x64xf32, #tpu.memory_space<hbm>> -> memref<10000x64xf32, #tpu.memory_space<hbm>>
      %dma_start3A_132 = arith.constant 0 : i32
      %dma_start3A_133 = arith.constant 0 : i32
      %dma_start3A_134 = tpu.memref_slice %dma_start3A_131[%dma_start3A_132, %dma_start3A_133] : memref<10000x64xf32, #tpu.memory_space<hbm>> -> memref<10000x64xf32, #tpu.memory_space<hbm>>
      tpu.enqueue_indirect_dma source(%dma_start3A_134 : memref<10000x64xf32, #tpu.memory_space<hbm>>) target(%arg10 : memref<80x64xf32, #tpu.memory_space<vmem>>) offsets(%dma_start3A_127 : memref<80xi32, #tpu.memory_space<vmem>>) semaphore(%arg14 : memref<!tpu.dma_semaphore, #tpu.memory_space<semaphore_mem>>)
      %dma_wait3A_135 = arith.constant 0 : i32
      %dma_wait3A_136 = tpu.memref_slice %arg7[%mul3A_122, %dma_wait3A_135] : memref<250x80xi32, #tpu.memory_space<vmem>> -> memref<1x80xi32, #tpu.memory_space<vmem>>
      %dma_wait3A_137 = tpu.memref_squeeze %dma_wait3A_136 : memref<1x80xi32, #tpu.memory_space<vmem>> -> memref<80xi32, #tpu.memory_space<vmem>>
      %dma_wait3A_138 = arith.constant 0 : i32
      %dma_wait3A_139 = arith.constant 0 : i32
      %dma_wait3A_140 = tpu.memref_slice %arg2[%arg0, %dma_wait3A_138, %dma_wait3A_139] : memref<2x10000x64xf32, #tpu.memory_space<hbm>> -> memref<1x10000x64xf32, #tpu.memory_space<hbm>>
      %dma_wait3A_141 = tpu.memref_squeeze %dma_wait3A_140 : memref<1x10000x64xf32, #tpu.memory_space<hbm>> -> memref<10000x64xf32, #tpu.memory_space<hbm>>
      %dma_wait3A_142 = arith.constant 0 : i32
      %dma_wait3A_143 = arith.constant 0 : i32
      %dma_wait3A_144 = tpu.memref_slice %dma_wait3A_141[%dma_wait3A_142, %dma_wait3A_143] : memref<10000x64xf32, #tpu.memory_space<hbm>> -> memref<10000x64xf32, #tpu.memory_space<hbm>>
      tpu.wait_indirect_dma semaphore(%arg13 : memref<!tpu.dma_semaphore, #tpu.memory_space<semaphore_mem>>) src(%dma_wait3A_144 : memref<10000x64xf32, #tpu.memory_space<hbm>>) dst(%arg9 : memref<80x64xf32, #tpu.memory_space<vmem>>)
      %ge3A = arith.constant 125 : i32
      %ge3A_145 = arith.cmpi sge, %mul3A_122, %ge3A : i32
      %eq3A_146 = arith.constant 0 : i32
      %eq3A_147 = arith.cmpi eq, %arg0, %eq3A_146 : i32
      %xor3A_148 = arith.xori %ge3A_145, %eq3A_147 : i1
      %convert_element_type3A_149 = arith.extui %xor3A_148 : i1 to i32
      %cond3A_150 = arith.constant 0 : i32
      %cond3A_151 = arith.cmpi ne, %convert_element_type3A_149, %cond3A_150 : i32
      scf.if %cond3A_151 {
        %dma_start3A_187 = arith.constant 0 : i32
        %dma_start3A_188 = tpu.memref_slice %arg12[%dma_start3A_187] : memref<640xf32, #tpu.memory_space<vmem>> -> memref<80xf32, #tpu.memory_space<vmem>>
        %dma_start3A_189 = arith.constant 0 : i32
        %dma_start3A_190 = tpu.memref_slice %arg8[%mul3A_122, %dma_start3A_189] : memref<250x80xi32, #tpu.memory_space<vmem>> -> memref<1x80xi32, #tpu.memory_space<vmem>>
        %dma_start3A_191 = tpu.memref_squeeze %dma_start3A_190 : memref<1x80xi32, #tpu.memory_space<vmem>> -> memref<80xi32, #tpu.memory_space<vmem>>
        %dma_start3A_192 = arith.constant 0 : i32
        %dma_start3A_193 = tpu.memref_slice %arg17[%dma_start3A_192] : memref<10240xf32, #tpu.memory_space<vmem_shared>> -> memref<10240xf32, #tpu.memory_space<vmem_shared>>
        tpu.enqueue_indirect_dma source(%dma_start3A_188 : memref<80xf32, #tpu.memory_space<vmem>>) target(%dma_start3A_193 : memref<10240xf32, #tpu.memory_space<vmem_shared>>) offsets(%dma_start3A_191 : memref<80xi32, #tpu.memory_space<vmem>>) semaphore(%arg15 : memref<!tpu.dma_semaphore, #tpu.memory_space<semaphore_mem>>) {add = true}
      } else {
      }
      "tpu.region"() ({
        %run_scoped3A_187 = tpu.sem_alloc : memref<!tpu.dma_semaphore, #tpu.memory_space<semaphore_mem>>
        %dma_start3A_188 = arith.constant 0 : i32
        %dma_start3A_189 = tpu.memref_slice %arg8[%mul3A_122, %dma_start3A_188] : memref<250x80xi32, #tpu.memory_space<vmem>> -> memref<1x80xi32, #tpu.memory_space<vmem>>
        %dma_start3A_190 = tpu.memref_squeeze %dma_start3A_189 : memref<1x80xi32, #tpu.memory_space<vmem>> -> memref<80xi32, #tpu.memory_space<vmem>>
        %dma_start3A_191 = arith.constant 0 : i32
        %dma_start3A_192 = arith.constant 0 : i32
        %dma_start3A_193 = tpu.memref_slice %arg16[%dma_start3A_191, %dma_start3A_192] : memref<10240x64xf32, #tpu.memory_space<vmem_shared>> -> memref<10240x64xf32, #tpu.memory_space<vmem_shared>>
        tpu.enqueue_indirect_dma source(%arg9 : memref<80x64xf32, #tpu.memory_space<vmem>>) target(%dma_start3A_193 : memref<10240x64xf32, #tpu.memory_space<vmem_shared>>) offsets(%dma_start3A_190 : memref<80xi32, #tpu.memory_space<vmem>>) semaphore(%run_scoped3A_187 : memref<!tpu.dma_semaphore, #tpu.memory_space<semaphore_mem>>) {add = true}
        %dma_wait3A_194 = arith.constant 0 : i32
        %dma_wait3A_195 = tpu.memref_slice %arg8[%mul3A_122, %dma_wait3A_194] : memref<250x80xi32, #tpu.memory_space<vmem>> -> memref<1x80xi32, #tpu.memory_space<vmem>>
        %dma_wait3A_196 = tpu.memref_squeeze %dma_wait3A_195 : memref<1x80xi32, #tpu.memory_space<vmem>> -> memref<80xi32, #tpu.memory_space<vmem>>
        %dma_wait3A_197 = arith.constant 0 : i32
        %dma_wait3A_198 = arith.constant 0 : i32
        %dma_wait3A_199 = tpu.memref_slice %arg16[%dma_wait3A_197, %dma_wait3A_198] : memref<10240x64xf32, #tpu.memory_space<vmem_shared>> -> memref<10240x64xf32, #tpu.memory_space<vmem_shared>>
        tpu.wait_indirect_dma semaphore(%run_scoped3A_187 : memref<!tpu.dma_semaphore, #tpu.memory_space<semaphore_mem>>) src(%arg9 : memref<80x64xf32, #tpu.memory_space<vmem>>) dst(%dma_wait3A_199 : memref<10240x64xf32, #tpu.memory_space<vmem_shared>>)
        tpu.yield
      }) : () -> ()
      %add3A_152 = arith.constant 2 : i32
      %add3A_153 = arith.addi %mul3A_122, %add3A_152 : i32
      %dma_start3A_154 = arith.constant 0 : i32
      %dma_start3A_155 = tpu.memref_slice %arg7[%add3A_153, %dma_start3A_154] : memref<250x80xi32, #tpu.memory_space<vmem>> -> memref<1x80xi32, #tpu.memory_space<vmem>>
      %dma_start3A_156 = tpu.memref_squeeze %dma_start3A_155 : memref<1x80xi32, #tpu.memory_space<vmem>> -> memref<80xi32, #tpu.memory_space<vmem>>
      %dma_start3A_157 = arith.constant 0 : i32
      %dma_start3A_158 = arith.constant 0 : i32
      %dma_start3A_159 = tpu.memref_slice %arg2[%arg0, %dma_start3A_157, %dma_start3A_158] : memref<2x10000x64xf32, #tpu.memory_space<hbm>> -> memref<1x10000x64xf32, #tpu.memory_space<hbm>>
      %dma_start3A_160 = tpu.memref_squeeze %dma_start3A_159 : memref<1x10000x64xf32, #tpu.memory_space<hbm>> -> memref<10000x64xf32, #tpu.memory_space<hbm>>
      %dma_start3A_161 = arith.constant 0 : i32
      %dma_start3A_162 = arith.constant 0 : i32
      %dma_start3A_163 = tpu.memref_slice %dma_start3A_160[%dma_start3A_161, %dma_start3A_162] : memref<10000x64xf32, #tpu.memory_space<hbm>> -> memref<10000x64xf32, #tpu.memory_space<hbm>>
      tpu.enqueue_indirect_dma source(%dma_start3A_163 : memref<10000x64xf32, #tpu.memory_space<hbm>>) target(%arg9 : memref<80x64xf32, #tpu.memory_space<vmem>>) offsets(%dma_start3A_156 : memref<80xi32, #tpu.memory_space<vmem>>) semaphore(%arg13 : memref<!tpu.dma_semaphore, #tpu.memory_space<semaphore_mem>>)
      %add3A_164 = arith.constant 1 : i32
      %add3A_165 = arith.addi %mul3A_122, %add3A_164 : i32
      %dma_wait3A_166 = arith.constant 0 : i32
      %dma_wait3A_167 = tpu.memref_slice %arg7[%add3A_165, %dma_wait3A_166] : memref<250x80xi32, #tpu.memory_space<vmem>> -> memref<1x80xi32, #tpu.memory_space<vmem>>
      %dma_wait3A_168 = tpu.memref_squeeze %dma_wait3A_167 : memref<1x80xi32, #tpu.memory_space<vmem>> -> memref<80xi32, #tpu.memory_space<vmem>>
      %dma_wait3A_169 = arith.constant 0 : i32
      %dma_wait3A_170 = arith.constant 0 : i32
      %dma_wait3A_171 = tpu.memref_slice %arg2[%arg0, %dma_wait3A_169, %dma_wait3A_170] : memref<2x10000x64xf32, #tpu.memory_space<hbm>> -> memref<1x10000x64xf32, #tpu.memory_space<hbm>>
      %dma_wait3A_172 = tpu.memref_squeeze %dma_wait3A_171 : memref<1x10000x64xf32, #tpu.memory_space<hbm>> -> memref<10000x64xf32, #tpu.memory_space<hbm>>
      %dma_wait3A_173 = arith.constant 0 : i32
      %dma_wait3A_174 = arith.constant 0 : i32
      %dma_wait3A_175 = tpu.memref_slice %dma_wait3A_172[%dma_wait3A_173, %dma_wait3A_174] : memref<10000x64xf32, #tpu.memory_space<hbm>> -> memref<10000x64xf32, #tpu.memory_space<hbm>>
      tpu.wait_indirect_dma semaphore(%arg14 : memref<!tpu.dma_semaphore, #tpu.memory_space<semaphore_mem>>) src(%dma_wait3A_175 : memref<10000x64xf32, #tpu.memory_space<hbm>>) dst(%arg10 : memref<80x64xf32, #tpu.memory_space<vmem>>)
      %add3A_176 = arith.constant 1 : i32
      %add3A_177 = arith.addi %mul3A_122, %add3A_176 : i32
      %ge3A_178 = arith.constant 125 : i32
      %ge3A_179 = arith.cmpi sge, %add3A_177, %ge3A_178 : i32
      %eq3A_180 = arith.constant 0 : i32
      %eq3A_181 = arith.cmpi eq, %arg0, %eq3A_180 : i32
      %xor3A_182 = arith.xori %ge3A_179, %eq3A_181 : i1
      %convert_element_type3A_183 = arith.extui %xor3A_182 : i1 to i32
      %cond3A_184 = arith.constant 0 : i32
      %cond3A_185 = arith.cmpi ne, %convert_element_type3A_183, %cond3A_184 : i32
      scf.if %cond3A_185 {
        %dma_start3A_187 = arith.constant 0 : i32
        %dma_start3A_188 = tpu.memref_slice %arg12[%dma_start3A_187] : memref<640xf32, #tpu.memory_space<vmem>> -> memref<80xf32, #tpu.memory_space<vmem>>
        %dma_start3A_189 = arith.constant 0 : i32
        %dma_start3A_190 = tpu.memref_slice %arg8[%add3A_177, %dma_start3A_189] : memref<250x80xi32, #tpu.memory_space<vmem>> -> memref<1x80xi32, #tpu.memory_space<vmem>>
        %dma_start3A_191 = tpu.memref_squeeze %dma_start3A_190 : memref<1x80xi32, #tpu.memory_space<vmem>> -> memref<80xi32, #tpu.memory_space<vmem>>
        %dma_start3A_192 = arith.constant 0 : i32
        %dma_start3A_193 = tpu.memref_slice %arg17[%dma_start3A_192] : memref<10240xf32, #tpu.memory_space<vmem_shared>> -> memref<10240xf32, #tpu.memory_space<vmem_shared>>
        tpu.enqueue_indirect_dma source(%dma_start3A_188 : memref<80xf32, #tpu.memory_space<vmem>>) target(%dma_start3A_193 : memref<10240xf32, #tpu.memory_space<vmem_shared>>) offsets(%dma_start3A_191 : memref<80xi32, #tpu.memory_space<vmem>>) semaphore(%arg15 : memref<!tpu.dma_semaphore, #tpu.memory_space<semaphore_mem>>) {add = true}
      } else {
      }
      "tpu.region"() ({
        %run_scoped3A_187 = tpu.sem_alloc : memref<!tpu.dma_semaphore, #tpu.memory_space<semaphore_mem>>
        %dma_start3A_188 = arith.constant 0 : i32
        %dma_start3A_189 = tpu.memref_slice %arg8[%add3A_177, %dma_start3A_188] : memref<250x80xi32, #tpu.memory_space<vmem>> -> memref<1x80xi32, #tpu.memory_space<vmem>>
        %dma_start3A_190 = tpu.memref_squeeze %dma_start3A_189 : memref<1x80xi32, #tpu.memory_space<vmem>> -> memref<80xi32, #tpu.memory_space<vmem>>
        %dma_start3A_191 = arith.constant 0 : i32
        %dma_start3A_192 = arith.constant 0 : i32
        %dma_start3A_193 = tpu.memref_slice %arg16[%dma_start3A_191, %dma_start3A_192] : memref<10240x64xf32, #tpu.memory_space<vmem_shared>> -> memref<10240x64xf32, #tpu.memory_space<vmem_shared>>
        tpu.enqueue_indirect_dma source(%arg10 : memref<80x64xf32, #tpu.memory_space<vmem>>) target(%dma_start3A_193 : memref<10240x64xf32, #tpu.memory_space<vmem_shared>>) offsets(%dma_start3A_190 : memref<80xi32, #tpu.memory_space<vmem>>) semaphore(%run_scoped3A_187 : memref<!tpu.dma_semaphore, #tpu.memory_space<semaphore_mem>>) {add = true}
        %dma_wait3A_194 = arith.constant 0 : i32
        %dma_wait3A_195 = tpu.memref_slice %arg8[%add3A_177, %dma_wait3A_194] : memref<250x80xi32, #tpu.memory_space<vmem>> -> memref<1x80xi32, #tpu.memory_space<vmem>>
        %dma_wait3A_196 = tpu.memref_squeeze %dma_wait3A_195 : memref<1x80xi32, #tpu.memory_space<vmem>> -> memref<80xi32, #tpu.memory_space<vmem>>
        %dma_wait3A_197 = arith.constant 0 : i32
        %dma_wait3A_198 = arith.constant 0 : i32
        %dma_wait3A_199 = tpu.memref_slice %arg16[%dma_wait3A_197, %dma_wait3A_198] : memref<10240x64xf32, #tpu.memory_space<vmem_shared>> -> memref<10240x64xf32, #tpu.memory_space<vmem_shared>>
        tpu.wait_indirect_dma semaphore(%run_scoped3A_187 : memref<!tpu.dma_semaphore, #tpu.memory_space<semaphore_mem>>) src(%arg10 : memref<80x64xf32, #tpu.memory_space<vmem>>) dst(%dma_wait3A_199 : memref<10240x64xf32, #tpu.memory_space<vmem_shared>>)
        tpu.yield
      }) : () -> ()
      %scan3A_186 = arith.constant 0 : i32
      scf.yield %scan3A_186 : i32
    }
    %scan3A_59 = arith.constant 124 : i32
    %dma_start3A_60 = arith.constant 249 : i32
    %dma_start3A_61 = arith.constant 0 : i32
    %dma_start3A_62 = tpu.memref_slice %arg7[%dma_start3A_60, %dma_start3A_61] : memref<250x80xi32, #tpu.memory_space<vmem>> -> memref<1x80xi32, #tpu.memory_space<vmem>>
    %dma_start3A_63 = tpu.memref_squeeze %dma_start3A_62 : memref<1x80xi32, #tpu.memory_space<vmem>> -> memref<80xi32, #tpu.memory_space<vmem>>
    %dma_start3A_64 = arith.constant 0 : i32
    %dma_start3A_65 = arith.constant 0 : i32
    %dma_start3A_66 = tpu.memref_slice %arg2[%arg0, %dma_start3A_64, %dma_start3A_65] : memref<2x10000x64xf32, #tpu.memory_space<hbm>> -> memref<1x10000x64xf32, #tpu.memory_space<hbm>>
    %dma_start3A_67 = tpu.memref_squeeze %dma_start3A_66 : memref<1x10000x64xf32, #tpu.memory_space<hbm>> -> memref<10000x64xf32, #tpu.memory_space<hbm>>
    %dma_start3A_68 = arith.constant 0 : i32
    %dma_start3A_69 = arith.constant 0 : i32
    %dma_start3A_70 = tpu.memref_slice %dma_start3A_67[%dma_start3A_68, %dma_start3A_69] : memref<10000x64xf32, #tpu.memory_space<hbm>> -> memref<10000x64xf32, #tpu.memory_space<hbm>>
    tpu.enqueue_indirect_dma source(%dma_start3A_70 : memref<10000x64xf32, #tpu.memory_space<hbm>>) target(%arg10 : memref<80x64xf32, #tpu.memory_space<vmem>>) offsets(%dma_start3A_63 : memref<80xi32, #tpu.memory_space<vmem>>) semaphore(%arg14 : memref<!tpu.dma_semaphore, #tpu.memory_space<semaphore_mem>>)
    %dma_wait3A = arith.constant 248 : i32
    %dma_wait3A_71 = arith.constant 0 : i32
    %dma_wait3A_72 = tpu.memref_slice %arg7[%dma_wait3A, %dma_wait3A_71] : memref<250x80xi32, #tpu.memory_space<vmem>> -> memref<1x80xi32, #tpu.memory_space<vmem>>
    %dma_wait3A_73 = tpu.memref_squeeze %dma_wait3A_72 : memref<1x80xi32, #tpu.memory_space<vmem>> -> memref<80xi32, #tpu.memory_space<vmem>>
    %dma_wait3A_74 = arith.constant 0 : i32
    %dma_wait3A_75 = arith.constant 0 : i32
    %dma_wait3A_76 = tpu.memref_slice %arg2[%arg0, %dma_wait3A_74, %dma_wait3A_75] : memref<2x10000x64xf32, #tpu.memory_space<hbm>> -> memref<1x10000x64xf32, #tpu.memory_space<hbm>>
    %dma_wait3A_77 = tpu.memref_squeeze %dma_wait3A_76 : memref<1x10000x64xf32, #tpu.memory_space<hbm>> -> memref<10000x64xf32, #tpu.memory_space<hbm>>
    %dma_wait3A_78 = arith.constant 0 : i32
    %dma_wait3A_79 = arith.constant 0 : i32
    %dma_wait3A_80 = tpu.memref_slice %dma_wait3A_77[%dma_wait3A_78, %dma_wait3A_79] : memref<10000x64xf32, #tpu.memory_space<hbm>> -> memref<10000x64xf32, #tpu.memory_space<hbm>>
    tpu.wait_indirect_dma semaphore(%arg13 : memref<!tpu.dma_semaphore, #tpu.memory_space<semaphore_mem>>) src(%dma_wait3A_80 : memref<10000x64xf32, #tpu.memory_space<hbm>>) dst(%arg9 : memref<80x64xf32, #tpu.memory_space<vmem>>)
    %eq3A = arith.constant 0 : i32
    %eq3A_81 = arith.cmpi eq, %arg0, %eq3A : i32
    %xor3A = arith.constant true
    %xor3A_82 = arith.xori %xor3A, %eq3A_81 : i1
    %convert_element_type3A = arith.extui %xor3A_82 : i1 to i32
    %cond3A = arith.constant 0 : i32
    %cond3A_83 = arith.cmpi ne, %convert_element_type3A, %cond3A : i32
    scf.if %cond3A_83 {
      %dma_start3A_119 = arith.constant 248 : i32
      %dma_start3A_120 = arith.constant 0 : i32
      %dma_start3A_121 = tpu.memref_slice %arg12[%dma_start3A_120] : memref<640xf32, #tpu.memory_space<vmem>> -> memref<80xf32, #tpu.memory_space<vmem>>
      %dma_start3A_122 = arith.constant 0 : i32
      %dma_start3A_123 = tpu.memref_slice %arg8[%dma_start3A_119, %dma_start3A_122] : memref<250x80xi32, #tpu.memory_space<vmem>> -> memref<1x80xi32, #tpu.memory_space<vmem>>
      %dma_start3A_124 = tpu.memref_squeeze %dma_start3A_123 : memref<1x80xi32, #tpu.memory_space<vmem>> -> memref<80xi32, #tpu.memory_space<vmem>>
      %dma_start3A_125 = arith.constant 0 : i32
      %dma_start3A_126 = tpu.memref_slice %arg17[%dma_start3A_125] : memref<10240xf32, #tpu.memory_space<vmem_shared>> -> memref<10240xf32, #tpu.memory_space<vmem_shared>>
      tpu.enqueue_indirect_dma source(%dma_start3A_121 : memref<80xf32, #tpu.memory_space<vmem>>) target(%dma_start3A_126 : memref<10240xf32, #tpu.memory_space<vmem_shared>>) offsets(%dma_start3A_124 : memref<80xi32, #tpu.memory_space<vmem>>) semaphore(%arg15 : memref<!tpu.dma_semaphore, #tpu.memory_space<semaphore_mem>>) {add = true}
    } else {
    }
    %run_scoped3A = arith.constant 248 : i32
    "tpu.region"() ({
      %run_scoped3A_119 = tpu.sem_alloc : memref<!tpu.dma_semaphore, #tpu.memory_space<semaphore_mem>>
      %dma_start3A_120 = arith.constant 0 : i32
      %dma_start3A_121 = tpu.memref_slice %arg8[%run_scoped3A, %dma_start3A_120] : memref<250x80xi32, #tpu.memory_space<vmem>> -> memref<1x80xi32, #tpu.memory_space<vmem>>
      %dma_start3A_122 = tpu.memref_squeeze %dma_start3A_121 : memref<1x80xi32, #tpu.memory_space<vmem>> -> memref<80xi32, #tpu.memory_space<vmem>>
      %dma_start3A_123 = arith.constant 0 : i32
      %dma_start3A_124 = arith.constant 0 : i32
      %dma_start3A_125 = tpu.memref_slice %arg16[%dma_start3A_123, %dma_start3A_124] : memref<10240x64xf32, #tpu.memory_space<vmem_shared>> -> memref<10240x64xf32, #tpu.memory_space<vmem_shared>>
      tpu.enqueue_indirect_dma source(%arg9 : memref<80x64xf32, #tpu.memory_space<vmem>>) target(%dma_start3A_125 : memref<10240x64xf32, #tpu.memory_space<vmem_shared>>) offsets(%dma_start3A_122 : memref<80xi32, #tpu.memory_space<vmem>>) semaphore(%run_scoped3A_119 : memref<!tpu.dma_semaphore, #tpu.memory_space<semaphore_mem>>) {add = true}
      %dma_wait3A_126 = arith.constant 0 : i32
      %dma_wait3A_127 = tpu.memref_slice %arg8[%run_scoped3A, %dma_wait3A_126] : memref<250x80xi32, #tpu.memory_space<vmem>> -> memref<1x80xi32, #tpu.memory_space<vmem>>
      %dma_wait3A_128 = tpu.memref_squeeze %dma_wait3A_127 : memref<1x80xi32, #tpu.memory_space<vmem>> -> memref<80xi32, #tpu.memory_space<vmem>>
      %dma_wait3A_129 = arith.constant 0 : i32
      %dma_wait3A_130 = arith.constant 0 : i32
      %dma_wait3A_131 = tpu.memref_slice %arg16[%dma_wait3A_129, %dma_wait3A_130] : memref<10240x64xf32, #tpu.memory_space<vmem_shared>> -> memref<10240x64xf32, #tpu.memory_space<vmem_shared>>
      tpu.wait_indirect_dma semaphore(%run_scoped3A_119 : memref<!tpu.dma_semaphore, #tpu.memory_space<semaphore_mem>>) src(%arg9 : memref<80x64xf32, #tpu.memory_space<vmem>>) dst(%dma_wait3A_131 : memref<10240x64xf32, #tpu.memory_space<vmem_shared>>)
      tpu.yield
    }) : () -> ()
    %dma_wait3A_84 = arith.constant 249 : i32
    %dma_wait3A_85 = arith.constant 0 : i32
    %dma_wait3A_86 = tpu.memref_slice %arg7[%dma_wait3A_84, %dma_wait3A_85] : memref<250x80xi32, #tpu.memory_space<vmem>> -> memref<1x80xi32, #tpu.memory_space<vmem>>
    %dma_wait3A_87 = tpu.memref_squeeze %dma_wait3A_86 : memref<1x80xi32, #tpu.memory_space<vmem>> -> memref<80xi32, #tpu.memory_space<vmem>>
    %dma_wait3A_88 = arith.constant 0 : i32
    %dma_wait3A_89 = arith.constant 0 : i32
    %dma_wait3A_90 = tpu.memref_slice %arg2[%arg0, %dma_wait3A_88, %dma_wait3A_89] : memref<2x10000x64xf32, #tpu.memory_space<hbm>> -> memref<1x10000x64xf32, #tpu.memory_space<hbm>>
    %dma_wait3A_91 = tpu.memref_squeeze %dma_wait3A_90 : memref<1x10000x64xf32, #tpu.memory_space<hbm>> -> memref<10000x64xf32, #tpu.memory_space<hbm>>
    %dma_wait3A_92 = arith.constant 0 : i32
    %dma_wait3A_93 = arith.constant 0 : i32
    %dma_wait3A_94 = tpu.memref_slice %dma_wait3A_91[%dma_wait3A_92, %dma_wait3A_93] : memref<10000x64xf32, #tpu.memory_space<hbm>> -> memref<10000x64xf32, #tpu.memory_space<hbm>>
    tpu.wait_indirect_dma semaphore(%arg14 : memref<!tpu.dma_semaphore, #tpu.memory_space<semaphore_mem>>) src(%dma_wait3A_94 : memref<10000x64xf32, #tpu.memory_space<hbm>>) dst(%arg10 : memref<80x64xf32, #tpu.memory_space<vmem>>)
    %eq3A_95 = arith.constant 0 : i32
    %eq3A_96 = arith.cmpi eq, %arg0, %eq3A_95 : i32
    %xor3A_97 = arith.constant true
    %xor3A_98 = arith.xori %xor3A_97, %eq3A_96 : i1
    %convert_element_type3A_99 = arith.extui %xor3A_98 : i1 to i32
    %cond3A_100 = arith.constant 0 : i32
    %cond3A_101 = arith.cmpi ne, %convert_element_type3A_99, %cond3A_100 : i32
    scf.if %cond3A_101 {
      %dma_start3A_119 = arith.constant 249 : i32
      %dma_start3A_120 = arith.constant 0 : i32
      %dma_start3A_121 = tpu.memref_slice %arg12[%dma_start3A_120] : memref<640xf32, #tpu.memory_space<vmem>> -> memref<80xf32, #tpu.memory_space<vmem>>
      %dma_start3A_122 = arith.constant 0 : i32
      %dma_start3A_123 = tpu.memref_slice %arg8[%dma_start3A_119, %dma_start3A_122] : memref<250x80xi32, #tpu.memory_space<vmem>> -> memref<1x80xi32, #tpu.memory_space<vmem>>
      %dma_start3A_124 = tpu.memref_squeeze %dma_start3A_123 : memref<1x80xi32, #tpu.memory_space<vmem>> -> memref<80xi32, #tpu.memory_space<vmem>>
      %dma_start3A_125 = arith.constant 0 : i32
      %dma_start3A_126 = tpu.memref_slice %arg17[%dma_start3A_125] : memref<10240xf32, #tpu.memory_space<vmem_shared>> -> memref<10240xf32, #tpu.memory_space<vmem_shared>>
      tpu.enqueue_indirect_dma source(%dma_start3A_121 : memref<80xf32, #tpu.memory_space<vmem>>) target(%dma_start3A_126 : memref<10240xf32, #tpu.memory_space<vmem_shared>>) offsets(%dma_start3A_124 : memref<80xi32, #tpu.memory_space<vmem>>) semaphore(%arg15 : memref<!tpu.dma_semaphore, #tpu.memory_space<semaphore_mem>>) {add = true}
    } else {
    }
    %run_scoped3A_102 = arith.constant 249 : i32
    "tpu.region"() ({
      %run_scoped3A_119 = tpu.sem_alloc : memref<!tpu.dma_semaphore, #tpu.memory_space<semaphore_mem>>
      %dma_start3A_120 = arith.constant 0 : i32
      %dma_start3A_121 = tpu.memref_slice %arg8[%run_scoped3A_102, %dma_start3A_120] : memref<250x80xi32, #tpu.memory_space<vmem>> -> memref<1x80xi32, #tpu.memory_space<vmem>>
      %dma_start3A_122 = tpu.memref_squeeze %dma_start3A_121 : memref<1x80xi32, #tpu.memory_space<vmem>> -> memref<80xi32, #tpu.memory_space<vmem>>
      %dma_start3A_123 = arith.constant 0 : i32
      %dma_start3A_124 = arith.constant 0 : i32
      %dma_start3A_125 = tpu.memref_slice %arg16[%dma_start3A_123, %dma_start3A_124] : memref<10240x64xf32, #tpu.memory_space<vmem_shared>> -> memref<10240x64xf32, #tpu.memory_space<vmem_shared>>
      tpu.enqueue_indirect_dma source(%arg10 : memref<80x64xf32, #tpu.memory_space<vmem>>) target(%dma_start3A_125 : memref<10240x64xf32, #tpu.memory_space<vmem_shared>>) offsets(%dma_start3A_122 : memref<80xi32, #tpu.memory_space<vmem>>) semaphore(%run_scoped3A_119 : memref<!tpu.dma_semaphore, #tpu.memory_space<semaphore_mem>>) {add = true}
      %dma_wait3A_126 = arith.constant 0 : i32
      %dma_wait3A_127 = tpu.memref_slice %arg8[%run_scoped3A_102, %dma_wait3A_126] : memref<250x80xi32, #tpu.memory_space<vmem>> -> memref<1x80xi32, #tpu.memory_space<vmem>>
      %dma_wait3A_128 = tpu.memref_squeeze %dma_wait3A_127 : memref<1x80xi32, #tpu.memory_space<vmem>> -> memref<80xi32, #tpu.memory_space<vmem>>
      %dma_wait3A_129 = arith.constant 0 : i32
      %dma_wait3A_130 = arith.constant 0 : i32
      %dma_wait3A_131 = tpu.memref_slice %arg16[%dma_wait3A_129, %dma_wait3A_130] : memref<10240x64xf32, #tpu.memory_space<vmem_shared>> -> memref<10240x64xf32, #tpu.memory_space<vmem_shared>>
      tpu.wait_indirect_dma semaphore(%run_scoped3A_119 : memref<!tpu.dma_semaphore, #tpu.memory_space<semaphore_mem>>) src(%arg10 : memref<80x64xf32, #tpu.memory_space<vmem>>) dst(%dma_wait3A_131 : memref<10240x64xf32, #tpu.memory_space<vmem_shared>>)
      tpu.yield
    }) : () -> ()
    %scan3A_103 = arith.constant 0 : i32
    %scan3A_104 = arith.constant 0 : i32
    %scan3A_105 = arith.constant 125 : i32
    %scan3A_106 = arith.addi %scan3A_104, %scan3A_105 : i32
    %scan3A_107 = arith.constant 1 : i32
    %scan3A_108 = scf.for %scan3A_119 = %scan3A_104 to %scan3A_106 step %scan3A_107 iter_args(%scan3A_120 = %scan3A_103) -> (i32)  : i32 {
      %dma_wait3A_121 = arith.constant 0 : i32
      %dma_wait3A_122 = arith.constant 0 : i32
      %dma_wait3A_123 = tpu.memref_slice %arg12[%dma_wait3A_122] : memref<640xf32, #tpu.memory_space<vmem>> -> memref<80xf32, #tpu.memory_space<vmem>>
      %dma_wait3A_124 = arith.constant 0 : i32
      %dma_wait3A_125 = tpu.memref_slice %arg8[%dma_wait3A_121, %dma_wait3A_124] : memref<250x80xi32, #tpu.memory_space<vmem>> -> memref<1x80xi32, #tpu.memory_space<vmem>>
      %dma_wait3A_126 = tpu.memref_squeeze %dma_wait3A_125 : memref<1x80xi32, #tpu.memory_space<vmem>> -> memref<80xi32, #tpu.memory_space<vmem>>
      %dma_wait3A_127 = arith.constant 0 : i32
      %dma_wait3A_128 = tpu.memref_slice %arg17[%dma_wait3A_127] : memref<10240xf32, #tpu.memory_space<vmem_shared>> -> memref<10240xf32, #tpu.memory_space<vmem_shared>>
      tpu.wait_indirect_dma semaphore(%arg15 : memref<!tpu.dma_semaphore, #tpu.memory_space<semaphore_mem>>) src(%dma_wait3A_123 : memref<80xf32, #tpu.memory_space<vmem>>) dst(%dma_wait3A_128 : memref<10240xf32, #tpu.memory_space<vmem_shared>>)
      %scan3A_129 = arith.constant 0 : i32
      scf.yield %scan3A_129 : i32
    }
    %scan3A_109 = arith.constant 125 : i32
    %barrier3A_110 = arith.constant 0 : index
    tpu.barrier barrier_id(%barrier3A_110)
    %mul3A_111 = arith.constant 640 : i32
    %mul3A_112 = arith.muli %arg1, %mul3A_111 : i32
    %mul3A_113 = arith.constant 640 : i32
    %mul3A_114 = arith.muli %arg1, %mul3A_113 : i32
    "tpu.region"() ({
      %run_scoped3A_119 = tpu.sem_alloc : memref<!tpu.dma_semaphore, #tpu.memory_space<semaphore_mem>>
      %dma_start3A_120 = arith.constant 0 : i32
      %dma_start3A_121 = arith.constant 0 : i32
      %dma_start3A_122 = tpu.memref_slice %arg5[%arg0, %dma_start3A_120, %dma_start3A_121] : memref<2x10240x64xf32, #tpu.memory_space<hbm>> -> memref<1x10240x64xf32, #tpu.memory_space<hbm>>
      %dma_start3A_123 = tpu.memref_squeeze %dma_start3A_122 : memref<1x10240x64xf32, #tpu.memory_space<hbm>> -> memref<10240x64xf32, #tpu.memory_space<hbm>>
      %dma_start3A_124 = arith.constant 0 : i32
      %dma_start3A_125 = tpu.memref_slice %dma_start3A_123[%mul3A_114, %dma_start3A_124] : memref<10240x64xf32, #tpu.memory_space<hbm>> -> memref<640x64xf32, #tpu.memory_space<hbm>>
      %dma_start3A_126 = arith.constant 0 : i32
      %dma_start3A_127 = tpu.memref_slice %arg16[%mul3A_112, %dma_start3A_126] : memref<10240x64xf32, #tpu.memory_space<vmem_shared>> -> memref<640x64xf32, #tpu.memory_space<vmem_shared>>
      tpu.enqueue_dma source(%dma_start3A_127 : memref<640x64xf32, #tpu.memory_space<vmem_shared>>) target(%dma_start3A_125 : memref<640x64xf32, #tpu.memory_space<hbm>>) target_semaphore(%run_scoped3A_119 : memref<!tpu.dma_semaphore, #tpu.memory_space<semaphore_mem>>)
      %dma_wait3A_128 = arith.constant 0 : i32
      %dma_wait3A_129 = arith.constant 0 : i32
      %dma_wait3A_130 = tpu.memref_slice %arg5[%arg0, %dma_wait3A_128, %dma_wait3A_129] : memref<2x10240x64xf32, #tpu.memory_space<hbm>> -> memref<1x10240x64xf32, #tpu.memory_space<hbm>>
      %dma_wait3A_131 = tpu.memref_squeeze %dma_wait3A_130 : memref<1x10240x64xf32, #tpu.memory_space<hbm>> -> memref<10240x64xf32, #tpu.memory_space<hbm>>
      %dma_wait3A_132 = arith.constant 0 : i32
      %dma_wait3A_133 = tpu.memref_slice %dma_wait3A_131[%mul3A_114, %dma_wait3A_132] : memref<10240x64xf32, #tpu.memory_space<hbm>> -> memref<640x64xf32, #tpu.memory_space<hbm>>
      %dma_wait3A_134 = arith.constant 0 : i32
      %dma_wait3A_135 = tpu.memref_slice %arg16[%mul3A_112, %dma_wait3A_134] : memref<10240x64xf32, #tpu.memory_space<vmem_shared>> -> memref<640x64xf32, #tpu.memory_space<vmem_shared>>
      tpu.wait_dma2 semaphore(%run_scoped3A_119 : memref<!tpu.dma_semaphore, #tpu.memory_space<semaphore_mem>>) src(%dma_wait3A_135 : memref<640x64xf32, #tpu.memory_space<vmem_shared>>) dst(%dma_wait3A_133 : memref<640x64xf32, #tpu.memory_space<hbm>>)
      tpu.yield
    }) : () -> ()
    %mul3A_115 = arith.constant 640 : i32
    %mul3A_116 = arith.muli %arg1, %mul3A_115 : i32
    %mul3A_117 = arith.constant 640 : i32
    %mul3A_118 = arith.muli %arg1, %mul3A_117 : i32
    "tpu.region"() ({
      %run_scoped3A_119 = tpu.sem_alloc : memref<!tpu.dma_semaphore, #tpu.memory_space<semaphore_mem>>
      %dma_start3A_120 = arith.constant 0 : i32
      %dma_start3A_121 = tpu.memref_slice %arg6[%arg0, %dma_start3A_120] : memref<2x10240xf32, #tpu.memory_space<hbm>> -> memref<1x10240xf32, #tpu.memory_space<hbm>>
      %dma_start3A_122 = tpu.memref_squeeze %dma_start3A_121 : memref<1x10240xf32, #tpu.memory_space<hbm>> -> memref<10240xf32, #tpu.memory_space<hbm>>
      %dma_start3A_123 = tpu.memref_slice %dma_start3A_122[%mul3A_118] : memref<10240xf32, #tpu.memory_space<hbm>> -> memref<640xf32, #tpu.memory_space<hbm>>
      %dma_start3A_124 = tpu.memref_slice %arg17[%mul3A_116] : memref<10240xf32, #tpu.memory_space<vmem_shared>> -> memref<640xf32, #tpu.memory_space<vmem_shared>>
      tpu.enqueue_dma source(%dma_start3A_124 : memref<640xf32, #tpu.memory_space<vmem_shared>>) target(%dma_start3A_123 : memref<640xf32, #tpu.memory_space<hbm>>) target_semaphore(%run_scoped3A_119 : memref<!tpu.dma_semaphore, #tpu.memory_space<semaphore_mem>>)
      %dma_wait3A_125 = arith.constant 0 : i32
      %dma_wait3A_126 = tpu.memref_slice %arg6[%arg0, %dma_wait3A_125] : memref<2x10240xf32, #tpu.memory_space<hbm>> -> memref<1x10240xf32, #tpu.memory_space<hbm>>
      %dma_wait3A_127 = tpu.memref_squeeze %dma_wait3A_126 : memref<1x10240xf32, #tpu.memory_space<hbm>> -> memref<10240xf32, #tpu.memory_space<hbm>>
      %dma_wait3A_128 = tpu.memref_slice %dma_wait3A_127[%mul3A_118] : memref<10240xf32, #tpu.memory_space<hbm>> -> memref<640xf32, #tpu.memory_space<hbm>>
      %dma_wait3A_129 = tpu.memref_slice %arg17[%mul3A_116] : memref<10240xf32, #tpu.memory_space<vmem_shared>> -> memref<640xf32, #tpu.memory_space<vmem_shared>>
      tpu.wait_dma2 semaphore(%run_scoped3A_119 : memref<!tpu.dma_semaphore, #tpu.memory_space<semaphore_mem>>) src(%dma_wait3A_129 : memref<640xf32, #tpu.memory_space<vmem_shared>>) dst(%dma_wait3A_128 : memref<640xf32, #tpu.memory_space<hbm>>)
      tpu.yield
    }) : () -> ()
    return
  }
}

</mosaic_0001>

<sc_bundles>
// kernel: _sc_seg_sum.3.cloned.1.call-start
scs
__scs_entry_jumppad:
0x0: {  	(pc) =	sbr.rel $0x88, $3  }
0x1: {  	(tag) =	ssettag $0x0;
	lr =	simm.s32 $0x1  }
0x2: {  	[smem:$0x3F9E] =	sst lr;
	_ =	strace $0xD0000000  }
0x3: {  	_ = 	snop  }
0x4: {  	_ = 	snop  }
0x5: {  	_ = 	snop  }
0x6: {  	_ = 	snop  }
0x7: {  	_ = 	snop  }
__scs_overlays_trampoline_lowered:
0x8: {  	[smem:$0x3FAD] =	sst s0  }
0x9: {  	[smem:$0x3FAE] =	sst s1  }
0xa: {  	[smem:$0x3FAF] =	sst s2  }
0xb: {  	[smem:$0x3FB0] =	sst s3  }
0xc: {  	[smem:$0x3FB1] =	sst s4  }
0xd: {  	[smem:$0x3FB2] =	sst s5  }
0xe: {  	[smem:$0x3FB3] =	sst s6  }
0xf: {  	[smem:$0x3FB4] =	sst s7  }
0x10: {  	[smem:$0x3FB5] =	sst s8  }
0x11: {  	[smem:$0x3FB6] =	sst s9;
	s0 =	simm.s32 @!p0 $0x0  }
0x12: {  	s1 =	sld [smem:$0x3F9C];
	s0 =	simm.s32 @p0 $0x1  }
0x13: {  	[smem:$0x3FB7] =	sst s0;
	s0 =	simm.s32 @!p1 $0x0  }
0x14: {  	s2 =	sld [smem:$0x3F9B];
	s0 =	simm.s32 @p1 $0x1  }
0x15: {  	[smem:$0x3FB8] =	sst s0;
	s0 =	simm.s32 @!p2 $0x0  }
0x16: {  	s3 =	sld [smem:$0x3FDB];
	s0 =	simm.s32 @p2 $0x1  }
0x17: {  	s4 =	simm.s32 $0x1BF5;
	[smem:$0x3FBA] =	sst s0  }
0x18: {  	s0 =	sld [smem:$0x3F9D];
	_ =	swait.ge [sflag:s4], $0x0  }
0x19: {  	s7 =	sld [smem:$0x3F9E]  }
0x1a: {  	s8 =	sadd.s32 $0xFFFFE003, lr  }
0x1b: {  	s9 =	sadd.s32 $0xFFFFFEF7, lr;
	s5 =	simm.s32 $0xFFFFFFFF;
	p2 =	slt.u32 s8, $0xFFFFF086  }
0x1c: {  	p1 =	slt.u32 s9, $0xF7A;
	s5 =	simm.s32 @!p2 $0x0  }
0x1d: {  	s5 =	simm.s32 @p1 $0x1;
	p0 =	seq.s32 s7, s2  }
0x1e: {  	s7 =	smul.u32 @!p0 $0xF7A, s2;
	p2 =	seq.s32 @!p0 s5, $0x0  }
0x1f: {  	s9 =	smul.u32 $0xF7A, s1;
	s8 =	simm.s32 @!p0 $0x1BF5;
	p2 =	por !p2, p0  }
0x20: {  	[sflag:s8] =	ssyncset.s32 @!p0 $0xFFFFF086;
	s6 =	sadd.s32 @!p0 s3, s7;
	s7 =	simm.s32 @!p0 $0x108  }
0x21: {  	s3 =	sadd.s32 s3, s9;
	s6 =	sadd.s32 @!p0 $0x88, s6;
	s7 =	simm.s32 @p2 $0x1082  }
0x22: {  	[simem:s7], [sflag:s8] =	dma.local @!p0 [hbm:s6], $0xF7A  }
0x23: {  	s9 =	sor.u32 $0xD0000000, s2;
	s6 =	simm.s32 $0x108;
	_ =	swait.ge @!p0 [sflag:s8], $0x0  }
0x24: {  	s3 =	sadd.s32 $0x88, s3;
	s6 =	simm.s32 @!p1 $0x1082;
	[sflag:s4] =	ssyncset.s32 $0xFFFFF086  }
0x25: {  	[simem:s6], [sflag:s4] =	dma.local [hbm:s3], $0xF7A  }
0x26: {  	[smem:$0x3F9E] =	sst s1;
	(tag) =	ssettag s2;
	_ =	strace s9  }
0x27: {  	s1 =	sld [smem:$0x3FAE]  }
0x28: {  	s2 =	sld [smem:$0x3FAF]  }
0x29: {  	s4 =	sld [smem:$0x3FB1]  }
0x2a: {  	p0 =	seq.s32 s5, $0x0;
	s5 =	sld [smem:$0x3FB2]  }
0x2b: {  	s6 =	sld [smem:$0x3FB3]  }
0x2c: {  	s7 =	sld [smem:$0x3FB4]  }
0x2d: {  	s3 =	simm.s32 $0x108;
	s8 =	sld [smem:$0x3FB5]  }
0x2e: {  	s3 =	simm.s32 @!p0 $0x1082;
	s9 =	sld [smem:$0x3FB6]  }
0x2f: {  	lr =	sadd.s32 s0, s3;
	s0 =	sld [smem:$0x3FAD]  }
0x30: {  	s3 =	sld [smem:$0x3FB0]  }
0x31: {  	[smem:$0x3FB9] =	sst s10  }
0x32: {  	s10 =	sld [smem:$0x3FB7];
	_ =	sdelay $0x3  }
0x33: {  	p0 =	seq.s32 s10, $0x1;
	s10 =	sld [smem:$0x3FB9];
	_ =	sdelay $0x3  }
0x34: {  	[smem:$0x3FB9] =	sst s10  }
0x35: {  	s10 =	sld [smem:$0x3FB8];
	_ =	sdelay $0x3  }
0x36: {  	p1 =	seq.s32 s10, $0x1;
	s10 =	sld [smem:$0x3FB9];
	_ =	sdelay $0x3  }
0x37: {  	[smem:$0x3FB9] =	sst s10  }
0x38: {  	s10 =	sld [smem:$0x3FBA]  }
0x39: {  	_ = 	snop;
	(pc) =	sbr.ind lr, $3  }
0x3a: {  	_ = 	snop  }
0x3b: {  	_ = 	snop  }
0x3c: {  	p2 =	seq.s32 s10, $0x1;
	s10 =	sld [smem:$0x3FB9]  }
0x3d: {  	_ =	shalt  }
0x3e: {  	_ =	shalt  }
0x3f: {  	_ =	shalt  }
0x40: {  	_ =	shalt  }
0x41: {  	_ =	shalt  }
0x42: {  	_ =	shalt  }
0x43: {  	_ =	shalt  }
0x44: {  	_ =	shalt  }
0x45: {  	_ =	shalt  }
0x46: {  	_ =	shalt  }
0x47: {  	_ =	shalt  }
0x48: {  	_ =	shalt  }
0x49: {  	_ =	shalt  }
0x4a: {  	_ =	shalt  }
0x4b: {  	_ =	shalt  }
0x4c: {  	_ =	shalt  }
0x4d: {  	_ =	shalt  }
0x4e: {  	_ =	shalt  }
0x4f: {  	_ =	shalt  }
0x50: {  	_ =	shalt  }
0x51: {  	_ =	shalt  }
0x52: {  	_ =	shalt  }
0x53: {  	_ =	shalt  }
0x54: {  	_ =	shalt  }
0x55: {  	_ =	shalt  }
0x56: {  	_ =	shalt  }
0x57: {  	_ =	shalt  }
0x58: {  	_ =	shalt  }
0x59: {  	_ =	shalt  }
0x5a: {  	_ =	shalt  }
0x5b: {  	_ =	shalt  }
0x5c: {  	_ =	shalt  }
0x5d: {  	_ =	shalt  }
0x5e: {  	_ =	shalt  }
0x5f: {  	_ =	shalt  }
0x60: {  	_ =	shalt  }
0x61: {  	_ =	shalt  }
0x62: {  	_ =	shalt  }
0x63: {  	_ =	shalt  }
0x64: {  	_ =	shalt  }
0x65: {  	_ =	shalt  }
0x66: {  	_ =	shalt  }
0x67: {  	_ =	shalt  }
0x68: {  	_ =	shalt  }
0x69: {  	_ =	shalt  }
0x6a: {  	_ =	shalt  }
0x6b: {  	_ =	shalt  }
0x6c: {  	_ =	shalt  }
0x6d: {  	_ =	shalt  }
0x6e: {  	_ =	shalt  }
0x6f: {  	_ =	shalt  }
0x70: {  	_ =	shalt  }
0x71: {  	_ =	shalt  }
0x72: {  	_ =	shalt  }
0x73: {  	_ =	shalt  }
0x74: {  	_ =	shalt  }
0x75: {  	_ =	shalt  }
0x76: {  	_ =	shalt  }
0x77: {  	_ =	shalt  }
0x78: {  	_ =	shalt  }
0x79: {  	_ =	shalt  }
0x7a: {  	_ =	shalt  }
0x7b: {  	_ =	shalt  }
0x7c: {  	_ =	shalt  }
0x7d: {  	_ =	shalt  }
0x7e: {  	_ =	shalt  }
0x7f: {  	_ =	shalt  }
0x80: {  	_ =	shalt  }
0x81: {  	_ =	shalt  }
0x82: {  	_ =	shalt  }
0x83: {  	_ =	shalt  }
0x84: {  	_ =	shalt  }
0x85: {  	_ =	shalt  }
0x86: {  	_ =	shalt  }
0x87: {  	_ =	shalt  }
.Lfunc_end0:
.L_simem_size_0:
called_computation_lowered:
.L_overlay_start_0:
0x88: {  	s2 =	sld [smem:$0x3FD9]  }
0x89: {  	s3 =	sld [smem:$0x3FFE];
	_ =	sdelay $0x1  }
0x8a: {  	s1 =	srdreg.scid  }
0x8b: {  	s0 =	sand.u32 $0x1, s1  }
0x8c: {  	s14 =	sshll.u32 s0, $0xA;
	s2 =	sadd.s32 s3, s2  }
0x8d: {  	s2 =	sadd.s32 s2, s14  }
0x8e: {  	[smem:$0x3FC5] =	sst s2  }
0x8f: {  	_ = 	snop  }
0x90: {  	s2 =	sld [smem:$0x3FD0];
	_ =	sdelay $0x2  }
0x91: {  	s15 =	simm.s32 $0xA;
	s4 =	simm.s32 $0x10  }
0x92: {  	[smem:s4], [sflag:s15] =	dma.local [hbm:s2], $0x1  }
0x93: {  	_ =	swait.eq [sflag:s15], $0x1  }
0x94: {  	[sflag:s15] =	ssyncset.done $0x0  }
0x95: {  	s16 =	sld [smem:$0x10];
	[sflag:s15] =	ssyncadd.s32 $0xFFFFFFFF  }
0x96: {  	s17 =	sld [smem:$0x11];
	(tm) =	ssettm $0x1  }
0x97: {  	s18 =	sld [smem:$0x3FFB];
	_ =	sdelay $0x3  }
0x98: {  	_ =	strace s18  }
0x99: {  	s4 =	sld [smem:$0x3FFC];
	_ =	sdelay $0x3  }
0x9a: {  	_ =	strace s4  }
0x9b: {  	s4 =	sld [smem:$0x3FFD];
	_ =	sdelay $0x3  }
0x9c: {  	_ =	strace s4  }
0x9d: {  	_ =	strace $0x8FFFFFFF  }
0x9e: {  	s19 =	sld [smem:$0x3FDB];
	_ =	sdelay $0x1  }
0x9f: {  	s5 =	simm.s32 $_scs_section_size  }
0xa0: {  	s6 =	simm.s32 $_size__tile_overlayer_lowered;
	s7 =	simm.s32 $_tile_overlayer_lowered  }
0xa1: {  	s22 =	simm.s32 $0x1BFF;
	s21 =	sshll.u32 s7, $0x1;
	s4 =	sadd.s32 s5, s19  }
0xa2: {  	s8 =	simm.s32 $0x0;
	s20 =	sshll.u32 s6, $0x1;
	s6 =	sadd.s32 s21, s4  }
0xa3: {  	[timem:s8], [sflag:s22] =	dma.local [hbm:s6], s20  }
0xa4: {  	_ =	swait.ge [sflag:s22], s20  }
0xa5: {  	s5 =	ssub.s32 $0x0, s20;
	[sflag:s22] =	ssyncset.done $0x0  }
0xa6: {  	[sflag:s22] =	ssyncadd.s32 s5;
	_ =	sdelay $0x1  }
0xa7: {  	s23 =	simm.s32 $0x1B8B  }
0xa8: {  	_ =	swait.ge [sflag:s23], $0x1  }
0xa9: {  	[sflag:s23] =	ssyncset.done $0x0  }
0xaa: {  	s25 =	simm.s32 $0x1B8E;
	s24 =	sld [smem:$0x3FFE];
	[sflag:s23] =	ssyncadd.s32 $0xFFFFFFFF  }
0xab: {  	s26 =	simm.s32 $execute0_lowered;
	[smem:$0x3FD2] =	sst s25  }
0xac: {  	s6 =	sshll.u32 s26, $0x1;
	_ =	strace $0x80000046;
	[dreg:$0x1] =	wrdreg $0xFFFFFFFF  }
0xad: {  	s28 =	simm.s32 $_size_execute0_lowered;
	s4 =	sadd.s32 s4, s6;
	[dreg:$0x0] =	wrdreg $0x0  }
0xae: {  	s6 =	sshll.u32 s28, $0x1;
	[dreg:$0x2] =	wrdreg s4  }
0xaf: {  	[dreg:$0x3] =	wrdreg s6  }
0xb0: {  	[dreg:$0x4] =	wrdreg $0xC0  }
0xb1: {  	_ =	task [dreg:s8], $0x5FFFF  }
0xb2: {  	[dreg:$0x1] =	wrdreg $0xFFFFFFFF  }
0xb3: {  	[dreg:$0x0] =	wrdreg $0x60  }
0xb4: {  	[dreg:$0x2] =	wrdreg s24  }
0xb5: {  	[dreg:$0x3] =	wrdreg s16  }
0xb6: {  	[dreg:$0x4] =	wrdreg s17  }
0xb7: {  	[dreg:$0x5] =	wrdreg $0xE6C00  }
0xb8: {  	[dreg:$0x6] =	wrdreg $0x186C00  }
0xb9: {  	[dreg:$0x7] =	wrdreg $0x9  }
0xba: {  	_ =	task.clear_ibuf [dreg:s8], $0x8FFFF;
	_ =	strace $0x90000046  }
0xbb: {  	s29 =	simm.s32 $0x9;
	_ =	strace $0x80000048  }
0xbc: {  	_ =	swait.ge [sflag:s29], $0x1  }
0xbd: {  	[sflag:s29] =	ssyncadd.s32 $0xFFFFFFFF  }
0xbe: {  	_ =	strace $0x90000048  }
0xbf: {  	_ =	sfence  }
0xc0: {  	s30 =	sld [smem:$0x0];
	_ =	sdelay $0x2  }
0xc1: {  	s31 =	sshll.u32 s1, $0xD;
	s1 =	sshrl.u32 s1, $0x2  }
0xc2: {  	s3 =	sand.u32 $0x4000, s31;
	s1 =	sadd.s32 s1, s30  }
0xc3: {  	s0 =	sor.u32 s3, s0;
	s1 =	sshll.u32 s1, $0x11  }
0xc4: {  	s0 =	sor.u32 s1, s0  }
0xc5: {  	s0 =	sadd.s32 $0x8F2B, s0  }
0xc6: {  	[sflag:s0] =	ssyncadd.remote.s32 $0x1  }
0xc7: {  	_ =	sfence.sel $0xFFFF  }
0xc8: {  	[dreg:$0x0] =	wrdreg $0xFFFFFFFF;
	(pc) =	sbr.abs _section_cstart, $3  }
0xc9: {  	[dreg:$0x1] =	wrdreg $0xFFFFFFFF  }
0xca: {  	_ =	task.clear_ibuf [dreg:s8], $0x2FFFF;
	_ =	strace $0x9FFFFFFF  }
0xcb: {  	(tm) =	ssettm $0x7FFFFFFF  }
tec
execute0_lowered:
.L_overlay_start_1:
0x0: {  	(tag) =	ssettag $0x1  }
0x1: {  	s0 =	rddreg [dreg:$0x0]  }
0x2: {  	s14 =	rddreg [dreg:$0x1]  }
0x3: {  	s15 =	rddreg [dreg:$0x2]  }
0x4: {  	s1 =	rddreg [dreg:$0x3];
	s25 =	stileid.u32  }
0x5: {  	s2 =	rddreg [dreg:$0x4];
	s6 =	smul.u32 $0x9C4, s25  }
0x6: {  	s3 =	srdreg.scid;
	s8 =	smul.u32 $0x28000, s25  }
0x7: {  	s4 =	simm.s32 $0x0;
	s21 =	simm.s32 $0x1;
	s16 =	smul.u32 $0xA000, s25  }
0x8: {  	s28 =	simm.s32 $0x3;
	s17 =	sand.u32 $0x1, s3;
	s19 =	smul.u32 $0x280, s25  }
0x9: {  	s29 =	simm.s32 $0x0;
	[smem:$0x7FF] =	sst s4;
	s5 =	smul.u32 $0x13880, s17  }
0xa: {  	_ =	strace $0x80000047;
	s7 =	ssub.s32 $0x2, s17;
	s20 =	smul.u32 $0x14000, s17  }
0xb: {  	s31 =	smul.u32 $0x500, s17;
	p0 =	seq.s32 s17, $0x0;
	s26 =	sshrl.u32 s7, $0x1  }
0xc: {  	s30 =	sshrl.u32 s8, $0x2;
	s10 =	sadd.s32 s19, s2;
	s23 =	sshrl.u32 s16, $0x3  }
0xd: {  	s24 =	sshrl.u32 s19, $0x3;
	s19 =	simm.s32 $0x9C40;
	s13 =	sadd.s32 s5, s0  }
0xe: {  	s0 =	sadd.s32 s6, s0;
	s18 =	ssub.s32 s7, s26;
	s5 =	sadd.s32 s16, s1  }
0xf: {  	s9 =	sadd.s32 s30, s1;
	s22 =	sadd.s32 s14, s20;
	s16 =	simm.s32 $0x4  }
0x10: {  	s20 =	simm.s32 $0xB040;
	s6 =	sadd.s32 $0x2000, s9;
	s7 =	sadd.s32 $0x4000, s9  }
0x11: {  	s8 =	sadd.s32 $0x6000, s9;
	s9 =	sadd.s32 $0x8000, s9;
	s11 =	sadd.s32 $0x31E00, s0  }
0x12: {  	s12 =	sadd.s32 $0x28000, s0;
	s13 =	sadd.s32 $0xE00, s13;
	s0 =	sadd.s32 s15, s31  }
0x13: {  	s14 =	smax.u32 s18, $0x1;
	s15 =	simm.s32 $0xC440;
	s18 =	simm.s32 $0x50  }
0x14: {  	v0 =	vimm.f32 $0.0e+00;
	v1 =	vimm.f32 $1.000000000e+00;
	s22 =	sadd.s32 s23, s22;
	s23 =	simm.s32 $0x2;
	s24 =	sadd.s32 s24, s0  }
.LBB2_1:
0x15: {  	s3 =	simm.s32 $0x0  }
0x16: {  	s0 =	sand.u32 $0x7F00, s3  }
0x17: {  	s17 =	sand.u32 $0x30, s3;
	s30 =	sshrl.u32 s0, $0x2  }
0x18: {  	s0 =	simm.s32 $0x40;
	s30 =	sor.u32 s17, s30;
	s17 =	simm.s32 $0x0  }
.LBB2_2:
0x19: {  	p1 =	sne.s32 s0, $0x7FC0  }
0x1a: {  	[tilespmem:s30+$0xC440] =	vst v0;
	s17 =	sadd.s32 $0x10, s17;
	s30 =	smov.u32 s0;
	s0 =	sadd.s32 $0x40, s0  }
.Ltmp0:
0x1b: {  	(pc) =	sbr.rel @p1 .LBB2_2-.Ltmp0, $4  }
0x1c: {  	_ = 	snop  }
0x1d: {  	s30 =	sand.u32 $0x7F00, s30  }
0x1e: {  	s31 =	sand.u32 $0x30, s17;
	s30 =	sshrl.u32 s30, $0x2  }
0x1f: {  	s30 =	sor.u32 s31, s30  }
0x20: {  	[tilespmem:s30+$0xC440] =	vst v0  }
0x21: {  	[spmem:s5] =	stream.linear.scatter [tilespmem:s15], [sflag:$0x4], $0x2000, $0x38;
	[tilespmem:$0x18940] =	vst v63  }
0x22: {  	_ =	swait.ge [sflag:s16], $0x2000  }
0x23: {  	[sflag:s16] =	ssyncset.done $0x0  }
0x24: {  	[sflag:s16] =	ssyncadd.s32 $0xFFFFE000  }
0x25: {  	[spmem:s6] =	stream.linear.scatter [tilespmem:s15], [sflag:$0x4], $0x2000, $0x38;
	[tilespmem:$0x18940] =	vst v63  }
0x26: {  	_ =	swait.ge [sflag:s16], $0x2000  }
0x27: {  	[sflag:s16] =	ssyncset.done $0x0  }
0x28: {  	[sflag:s16] =	ssyncadd.s32 $0xFFFFE000  }
0x29: {  	[spmem:s7] =	stream.linear.scatter [tilespmem:s15], [sflag:$0x4], $0x2000, $0x38;
	[tilespmem:$0x18940] =	vst v63  }
0x2a: {  	_ =	swait.ge [sflag:s16], $0x2000  }
0x2b: {  	[sflag:s16] =	ssyncset.done $0x0  }
0x2c: {  	[sflag:s16] =	ssyncadd.s32 $0xFFFFE000  }
0x2d: {  	[spmem:s8] =	stream.linear.scatter [tilespmem:s15], [sflag:$0x4], $0x2000, $0x38;
	[tilespmem:$0x18940] =	vst v63  }
0x2e: {  	_ =	swait.ge [sflag:s16], $0x2000  }
0x2f: {  	[sflag:s16] =	ssyncset.done $0x0  }
0x30: {  	[sflag:s16] =	ssyncadd.s32 $0xFFFFE000  }
0x31: {  	[spmem:s9] =	stream.linear.scatter [tilespmem:s15], [sflag:$0x4], $0x2000, $0x38;
	[tilespmem:$0x18940] =	vst v63  }
0x32: {  	_ =	swait.ge [sflag:s16], $0x2000  }
0x33: {  	[sflag:s16] =	ssyncset.done $0x0  }
0x34: {  	[sflag:s16] =	ssyncadd.s32 $0xFFFFE000  }
0x35: {  	[tilespmem:$0xE440] =	vst v0  }
0x36: {  	[tilespmem:$0xE450] =	vst v0  }
0x37: {  	[tilespmem:$0xE460] =	vst v0  }
0x38: {  	[tilespmem:$0xE470] =	vst v0  }
0x39: {  	[tilespmem:$0xE480] =	vst v0  }
0x3a: {  	[tilespmem:$0xE490] =	vst v0  }
0x3b: {  	[tilespmem:$0xE4A0] =	vst v0  }
0x3c: {  	[tilespmem:$0xE4B0] =	vst v0  }
0x3d: {  	[tilespmem:$0xE4C0] =	vst v0  }
0x3e: {  	[tilespmem:$0xE4D0] =	vst v0  }
0x3f: {  	[tilespmem:$0xE4E0] =	vst v0  }
0x40: {  	[tilespmem:$0xE4F0] =	vst v0  }
0x41: {  	[tilespmem:$0xE500] =	vst v0  }
0x42: {  	[tilespmem:$0xE510] =	vst v0  }
0x43: {  	[tilespmem:$0xE520] =	vst v0  }
0x44: {  	[tilespmem:$0xE530] =	vst v0  }
0x45: {  	[tilespmem:$0xE540] =	vst v0  }
0x46: {  	[tilespmem:$0xE550] =	vst v0  }
0x47: {  	[tilespmem:$0xE560] =	vst v0  }
0x48: {  	[tilespmem:$0xE570] =	vst v0  }
0x49: {  	[tilespmem:$0xE580] =	vst v0  }
0x4a: {  	[tilespmem:$0xE590] =	vst v0  }
0x4b: {  	[tilespmem:$0xE5A0] =	vst v0  }
0x4c: {  	[tilespmem:$0xE5B0] =	vst v0  }
0x4d: {  	[tilespmem:$0xE5C0] =	vst v0  }
0x4e: {  	[tilespmem:$0xE5D0] =	vst v0  }
0x4f: {  	[tilespmem:$0xE5E0] =	vst v0  }
0x50: {  	[tilespmem:$0xE5F0] =	vst v0  }
0x51: {  	[tilespmem:$0xE600] =	vst v0  }
0x52: {  	[tilespmem:$0xE610] =	vst v0  }
0x53: {  	[tilespmem:$0xE620] =	vst v0  }
0x54: {  	[tilespmem:$0xE630] =	vst v0  }
0x55: {  	[tilespmem:$0xE640] =	vst v0  }
0x56: {  	[tilespmem:$0xE650] =	vst v0  }
0x57: {  	[tilespmem:$0xE660] =	vst v0  }
0x58: {  	[tilespmem:$0xE670] =	vst v0  }
0x59: {  	[tilespmem:$0xE680] =	vst v0  }
0x5a: {  	[tilespmem:$0xE690] =	vst v0  }
0x5b: {  	[tilespmem:$0xE6A0] =	vst v0  }
0x5c: {  	s0 =	simm.s32 $0xE440;
	[tilespmem:$0xE6B0] =	vst v0  }
0x5d: {  	[spmem:s10] =	stream.linear.scatter [tilespmem:s0], [sflag:$0x4], $0x280, $0x38;
	[tilespmem:$0x18940] =	vst v63  }
0x5e: {  	_ =	swait.ge [sflag:s16], $0x280  }
0x5f: {  	[sflag:s16] =	ssyncset.done $0x0  }
0x60: {  	s4 =	simm.s32 $0x0;
	[sflag:s16] =	ssyncadd.s32 $0xFFFFFD80  }
0x61: {  	[tilespmem:s4], [sflag:$0x4] =	stream.linear.gather [hbm4b:s11+s4], $0x4E20, $0x38;
	[tilespmem:$0x18940] =	vst v63  }
0x62: {  	_ =	swait.ge [sflag:s16], $0x4E20  }
0x63: {  	[sflag:s16] =	ssyncset.done $0x0  }
0x64: {  	s17 =	simm.s32 $0x4E20;
	[sflag:s16] =	ssyncadd.s32 $0xFFFFB1E0  }
0x65: {  	[tilespmem:s17], [sflag:$0x4] =	stream.linear.gather [hbm4b:s12+s4], $0x4E20, $0x38;
	[tilespmem:$0x18940] =	vst v63  }
0x66: {  	_ =	swait.ge [sflag:s16], $0x4E20  }
0x67: {  	[sflag:s16] =	ssyncset.done $0x0  }
0x68: {  	[sflag:s16] =	ssyncadd.s32 $0xFFFFB1E0  }
0x69: {  	[tilespmem:$0xE440] =	vst v1  }
0x6a: {  	[tilespmem:$0xE450] =	vst v1  }
0x6b: {  	[tilespmem:$0xE460] =	vst v1  }
0x6c: {  	[tilespmem:$0xE470] =	vst v1  }
0x6d: {  	[tilespmem:$0xE480] =	vst v1  }
0x6e: {  	s25 =	simm.s32 $0x50;
	[bflag:$0x0] =	sbarrier.arrive $0xFFFF  }
0x6f: {  	[tilespmem:s19], [sflag:$0x1] =	stream.indirect.gather [hbm4b:s13+s18], $0x40, s4, s18, $0xb8;
	[tilespmem:$0x18940] =	vst v63  }
0x70: {  	p1 =	por $0x0, $0x0;
	s30 =	simm.s32 $0x1;
	s0 =	simm.s32 $0x1  }
0x71: {  	[tilespmem:s20], [sflag:$0x2] =	stream.indirect.gather [hbm4b:s13+s18], $0x40, s25, s18, $0xb8;
	[tilespmem:$0x18940] =	vst v63  }
0x72: {  	s30 =	simm.s32 @!p0 $0x0;
	s0 =	simm.s32 @!p1 $0x0;
	_ =	swait.ge [sflag:s21], $0x1400  }
0x73: {  	p1 =	seq.s32 s30, s0;
	[sflag:s21] =	ssyncset.done $0x0  }
0x74: {  	s0 =	simm.s32 @!p1 $0x50;
	s31 =	simm.s32 @!p1 $0xE440;
	[sflag:s21] =	ssyncadd.s32 $0xFFFFEC00  }
0x75: {  	[spmem:s2] =	stream.indirect.scatter.add.f32 @!p1 [tilespmem:s31], [sflag:$0x3], $0x1, s17, s0, $0xb8;
	[tilespmem:$0x18940] =	vst v63  }
0x76: {  	_ = 	snop  }
0x77: {  	[spmem:s1] =	stream.indirect.scatter.add.f32 [tilespmem:s19], [sflag:$0x4], $0x40, s17, s18, $0xb8;
	[tilespmem:$0x18940] =	vst v63  }
0x78: {  	_ =	swait.ge [sflag:s16], $0x1400  }
0x79: {  	p1 =	por $0x0, $0x0;
	s0 =	simm.s32 $0x1;
	[sflag:s16] =	ssyncset.done $0x0  }
0x7a: {  	s31 =	simm.s32 $0xA0;
	s0 =	simm.s32 @!p1 $0x0;
	[sflag:s16] =	ssyncadd.s32 $0xFFFFEC00  }
0x7b: {  	[tilespmem:s19], [sflag:$0x1] =	stream.indirect.gather [hbm4b:s13+s18], $0x40, s31, s18, $0xb8;
	[tilespmem:$0x18940] =	vst v63  }
0x7c: {  	p1 =	seq.s32 s30, s0;
	_ =	swait.ge [sflag:s23], $0x1400  }
0x7d: {  	s0 =	simm.s32 @!p1 $0x4E70;
	[sflag:s23] =	ssyncset.done $0x0  }
0x7e: {  	s17 =	simm.s32 @!p1 $0x50;
	s25 =	simm.s32 @!p1 $0xE440;
	[sflag:s23] =	ssyncadd.s32 $0xFFFFEC00  }
0x7f: {  	[spmem:s2] =	stream.indirect.scatter.add.f32 @!p1 [tilespmem:s25], [sflag:$0x3], $0x1, s0, s17, $0xb8;
	[tilespmem:$0x18940] =	vst v63  }
0x80: {  	s26 =	simm.s32 $0x4E70  }
0x81: {  	[spmem:s1] =	stream.indirect.scatter.add.f32 [tilespmem:s20], [sflag:$0x4], $0x40, s26, s18, $0xb8;
	[tilespmem:$0x18940] =	vst v63  }
0x82: {  	s0 =	simm.s32 $0x1;
	s17 =	simm.s32 $0x4EC0;
	_ =	swait.ge [sflag:s16], $0x1400  }
.LBB2_4:
0x83: {  	[sflag:s16] =	ssyncset.done $0x0  }
0x84: {  	s31 =	sadd.s32 $0xA0, s31;
	s25 =	smov.u32 s0;
	s0 =	sadd.s32 $0x1, s0  }
0x85: {  	s3 =	sadd.s32 $0xFFFFFFB0, s31;
	p1 =	sgt.u32 s25, $0x3E;
	[sflag:s16] =	ssyncadd.s32 $0xFFFFEC00  }
0x86: {  	[tilespmem:s20], [sflag:$0x2] =	stream.indirect.gather [hbm4b:s13+s18], $0x40, s3, s18, $0xb8;
	[tilespmem:$0x18940] =	vst v63  }
0x87: {  	s3 =	simm.s32 $0x1  }
0x88: {  	_ =	swait.ge [sflag:s21], $0x1400;
	s3 =	simm.s32 @!p1 $0x0  }
0x89: {  	p1 =	sne.s32 s0, $0x7C;
	[sflag:s21] =	ssyncset.done $0x0;
	p2 =	seq.s32 s30, s3  }
0x8a: {  	[sflag:s21] =	ssyncadd.s32 $0xFFFFEC00;
	s3 =	simm.s32 @!p2 $0x50;
	s26 =	simm.s32 @!p2 $0xE440  }
0x8b: {  	[spmem:s2] =	stream.indirect.scatter.add.f32 @!p2 [tilespmem:s26], [sflag:$0x3], $0x1, s17, s3, $0xb8;
	[tilespmem:$0x18940] =	vst v63  }
0x8c: {  	_ = 	snop  }
0x8d: {  	[spmem:s1] =	stream.indirect.scatter.add.f32 [tilespmem:s19], [sflag:$0x4], $0x40, s17, s18, $0xb8;
	[tilespmem:$0x18940] =	vst v63  }
0x8e: {  	_ =	swait.ge [sflag:s16], $0x1400  }
0x8f: {  	[sflag:s16] =	ssyncset.done $0x0  }
0x90: {  	p2 =	sgt.u32 s25, $0x3D;
	s3 =	simm.s32 $0x1;
	[sflag:s16] =	ssyncadd.s32 $0xFFFFEC00  }
0x91: {  	[tilespmem:s19], [sflag:$0x1] =	stream.indirect.gather [hbm4b:s13+s18], $0x40, s31, s18, $0xb8;
	[tilespmem:$0x18940] =	vst v63  }
0x92: {  	s3 =	simm.s32 @!p2 $0x0;
	_ =	swait.ge [sflag:s23], $0x1400  }
0x93: {  	p2 =	seq.s32 s30, s3;
	[sflag:s23] =	ssyncset.done $0x0  }
0x94: {  	s3 =	sadd.s32 @!p2 $0x50, s17;
	s25 =	simm.s32 @!p2 $0x50;
	[sflag:s23] =	ssyncadd.s32 $0xFFFFEC00  }
.Ltmp1:
0x95: {  	s4 =	sadd.s32 $0x50, s17;
	s26 =	simm.s32 @!p2 $0xE440;
	(pc) =	sbr.rel @p1 .LBB2_4-.Ltmp1, $4  }
0x96: {  	[spmem:s2] =	stream.indirect.scatter.add.f32 @!p2 [tilespmem:s26], [sflag:$0x3], $0x1, s3, s25, $0xb8;
	[tilespmem:$0x18940] =	vst v63  }
0x97: {  	_ = 	snop  }
0x98: {  	[spmem:s1] =	stream.indirect.scatter.add.f32 [tilespmem:s20], [sflag:$0x4], $0x40, s4, s18, $0xb8;
	[tilespmem:$0x18940] =	vst v63  }
0x99: {  	s17 =	sadd.s32 $0xA0, s17;
	_ =	swait.ge [sflag:s16], $0x1400  }
0x9a: {  	[sflag:s16] =	ssyncset.done $0x0  }
0x9b: {  	s0 =	simm.s32 $0x4DD0;
	[sflag:s16] =	ssyncadd.s32 $0xFFFFEC00  }
0x9c: {  	[tilespmem:s20], [sflag:$0x2] =	stream.indirect.gather [hbm4b:s13+s18], $0x40, s0, s18, $0xb8;
	[tilespmem:$0x18940] =	vst v63  }
0x9d: {  	_ =	swait.ge [sflag:s21], $0x1400  }
0x9e: {  	s3 =	simm.s32 @p0 $0x9BA0;
	[sflag:s21] =	ssyncset.done $0x0  }
0x9f: {  	s4 =	simm.s32 @p0 $0x9C40;
	s0 =	simm.s32 @p0 $0x50;
	[sflag:s21] =	ssyncadd.s32 $0xFFFFEC00  }
0xa0: {  	[spmem:s1] =	stream.indirect.scatter.add.f32 @p0 [tilespmem:s4], [sflag:$0x4], $0x40, s3, s0, $0xb8;
	[tilespmem:$0x18940] =	vst v63  }
0xa1: {  	s0 =	simm.s32 @p0 $0x4  }
0xa2: {  	_ =	swait.ge @p0 [sflag:s0], $0x1400  }
0xa3: {  	[sflag:s0] =	ssyncset.done @p0 $0x0  }
0xa4: {  	[sflag:s0] =	ssyncadd.s32 @p0 $0xFFFFEC00;
	s0 =	simm.s32 @p0 $0x2  }
0xa5: {  	_ =	swait.ge @p0 [sflag:s0], $0x1400  }
0xa6: {  	s3 =	simm.s32 @!p0 $0x9BA0;
	[sflag:s0] =	ssyncset.done @p0 $0x0  }
0xa7: {  	s4 =	simm.s32 @!p0 $0xE440;
	[sflag:s0] =	ssyncadd.s32 @p0 $0xFFFFEC00;
	s0 =	simm.s32 @!p0 $0x50  }
0xa8: {  	[spmem:s2] =	stream.indirect.scatter.add.f32 @!p0 [tilespmem:s4], [sflag:$0x3], $0x1, s3, s0, $0xb8;
	[tilespmem:$0x18940] =	vst v63  }
0xa9: {  	s17 =	simm.s32 @!p0 $0x9C40  }
0xaa: {  	[spmem:s1] =	stream.indirect.scatter.add.f32 @!p0 [tilespmem:s17], [sflag:$0x4], $0x40, s3, s0, $0xb8;
	[tilespmem:$0x18940] =	vst v63  }
0xab: {  	s3 =	simm.s32 @!p0 $0x4  }
0xac: {  	_ =	swait.ge @!p0 [sflag:s3], $0x1400  }
0xad: {  	[sflag:s3] =	ssyncset.done @!p0 $0x0  }
0xae: {  	[sflag:s3] =	ssyncadd.s32 @!p0 $0xFFFFEC00;
	s3 =	simm.s32 @!p0 $0x2  }
0xaf: {  	_ =	swait.ge @!p0 [sflag:s3], $0x1400  }
0xb0: {  	[sflag:s3] =	ssyncset.done @!p0 $0x0  }
0xb1: {  	[sflag:s3] =	ssyncadd.s32 @!p0 $0xFFFFEC00;
	s3 =	simm.s32 @!p0 $0x9BF0  }
0xb2: {  	[spmem:s2] =	stream.indirect.scatter.add.f32 @!p0 [tilespmem:s4], [sflag:$0x3], $0x1, s3, s0, $0xb8;
	[tilespmem:$0x18940] =	vst v63  }
0xb3: {  	s31 =	simm.s32 $0x9BF0  }
0xb4: {  	[spmem:s1] =	stream.indirect.scatter.add.f32 [tilespmem:s20], [sflag:$0x4], $0x40, s31, s18, $0xb8;
	[tilespmem:$0x18940] =	vst v63  }
0xb5: {  	_ =	swait.ge [sflag:s16], $0x1400  }
0xb6: {  	[sflag:s16] =	ssyncset.done $0x0  }
0xb7: {  	[sflag:s16] =	ssyncadd.s32 $0xFFFFEC00  }
0xb8: {  	_ =	swait.ge [sflag:s28], $0x50  }
0xb9: {  	s0 =	simm.s32 $0x7C;
	[sflag:s28] =	ssyncset.done $0x0  }
.LBB2_6:
0xba: {  	p1 =	sne.s32 s0, $0x1;
	s0 =	sadd.s32 $0xFFFFFFFF, s0;
	[sflag:s28] =	ssyncadd.s32 $0xFFFFFFB0  }
.Ltmp2:
0xbb: {  	(pc) =	sbr.rel @p1 .LBB2_6-.Ltmp2, $3  }
0xbc: {  	_ =	sdelay $0x1  }
0xbd: {  	_ =	swait.ge [sflag:s28], $0x50  }
0xbe: {  	[sflag:s28] =	ssyncset.done $0x0  }
0xbf: {  	s0 =	stileid.u32  }
0xc0: {  	[sflag:s28] =	ssyncadd.s32 $0xFFFFFFB0;
	s0 =	sshll.u32 s0, $0x6  }
0xc1: {  	s3 =	sshrl.u32 s5, $0x3;
	[bflag:$0x0] =	sbarrier.arrive $0xFFFF;
	s0 =	sor.u32 $0x1C04, s0  }
0xc2: {  	[hbm:s22], [sflag:s0] =	dma.local [spmem:s3], $0x1400  }
0xc3: {  	s29 =	sadd.s32 $0x1, s29;
	_ =	swait.ge [sflag:s16], $0x1400  }
0xc4: {  	p1 =	sne.s32 s29, s14;
	[sflag:s16] =	ssyncset.done $0x0  }
.Ltmp3:
0xc5: {  	s31 =	sshrl.u32 s10, $0x3;
	[sflag:s16] =	ssyncadd.s32 $0xFFFFEC00;
	(pc) =	sbr.rel @p1 .LBB2_1-.Ltmp3, $4  }
0xc6: {  	[hbm:s24], [sflag:s0] =	dma.local [spmem:s31], $0x50  }
0xc7: {  	_ =	swait.ge [sflag:s16], $0x50  }
0xc8: {  	[sflag:s16] =	ssyncset.done $0x0  }
0xc9: {  	[sflag:s16] =	ssyncadd.s32 $0xFFFFFFB0  }
0xca: {  	_ =	sfence.sel $0x180000  }
0xcb: {  	[bflag:$0x0] =	sbarrier.arrive $0xFFFF  }
0xcc: {  	_ =	strace $0x90000047  }
0xcd: {  	s0 =	stileid.u32;
	[bflag:$0x2] =	sbarrier.arrive $0xFFFF  }
0xce: {  	p0 =	sne.s32 s0, $0x0;
	s0 =	rddreg [dreg:$0x5]  }
0xcf: {  	s0 =	sadd.s32 @!p0 $0x100000, s0  }
0xd0: {  	[sflag:s0] =	ssyncadd.tile.s32 @!p0 $0x1;
	_ =	shalt  }
.Lfunc_end2:
_tile_overlayer_lowered:
.L_overlay_start_2:
0xd1: {  	(tag) =	ssettag $0x2  }
0xd2: {  	s0 =	rddreg [dreg:$0x0];
	s2 =	stileid.u32  }
0xd3: {  	s1 =	rddreg [dreg:$0x1];
	p0 =	sne.s32 s2, $0x0  }
0xd4: {  	s3 =	rddreg [dreg:$0x2];
	[bflag:$0x3] =	sbarrier.arrive $0xFFFF;
	s2 =	simm.s32 @!p0 $0x1C04  }
0xd5: {  	[timem:s3], [sflag:s2] =	dma.local @!p0 [hbm:s0], s1  }
0xd6: {  	s0 =	simm.s32 @!p0 $0x4  }
0xd7: {  	_ =	swait.ge @!p0 [sflag:s0], s1  }
0xd8: {  	s1 =	ssub.s32 @!p0 $0x0, s1;
	[sflag:s0] =	ssyncset.done @!p0 $0x0  }
0xd9: {  	[sflag:s0] =	ssyncadd.s32 @!p0 s1  }
0xda: {  	[bflag:$0x3] =	sbarrier.arrive $0xFFFF  }
0xdb: {  	_ =	shalt  }

</sc_bundles>
